<compile_context>
chip_gen: v7x
topology: tpu7x:2x2x1
jax: 0.10.2.dev20260603
libtpu: 0.0.44.dev20260713+nightly
codegen_flags: <defaults>
</compile_context>

<pallas_src>
import functools

import jax
import jax.numpy as jnp
from jax import lax
from jax.experimental import pallas as pl
from jax.experimental.pallas import tpu as pltpu
from jax.experimental.pallas import tpu_sc as plsc

_D = 768
_LANES = 16
_NC = 2
_NS = 16
_NW = _NC * _NS
_NBUF = 2


@functools.lru_cache(maxsize=None)
def _emb_kernel(n_rows: int, rows_pw: int, chunk: int, n_type: int):
    mesh = plsc.VectorSubcoreMesh(core_axis_name="c", subcore_axis_name="s")
    n_chunks = rows_pw // chunk
    n_slices = _D // _LANES
    assert n_chunks % _NBUF == 0

    @functools.partial(
        pl.kernel, mesh=mesh,
        out_type=jax.ShapeDtypeStruct((n_rows, _D), jnp.float32),
        scratch_types=[
            pltpu.VMEM((n_chunks, chunk), jnp.int32),
            pltpu.VMEM((n_chunks, chunk), jnp.int32),
            pltpu.VMEM((rows_pw + _LANES,), jnp.int32),
            pltpu.VMEM((n_type, _D), jnp.float32),
        ] + [pltpu.VMEM((chunk, _D), jnp.float32)] * (3 * _NBUF) + [
            pltpu.SemaphoreType.DMA,
            pltpu.SemaphoreType.DMA,
            pltpu.SemaphoreType.DMA,
            pltpu.SemaphoreType.DMA,
        ],
    )
    def body(iw_hbm, ip_hbm, it_hbm, wt_hbm, pt_hbm, tt_hbm, out_hbm,
             iw_v, ip_v, it_v, tt_v,
             w0, p0, r0, w1, p1, r1,
             g0, g1, o0, o1):
        w_v, p_v, r_v = (w0, w1), (p0, p1), (r0, r1)
        gsem, osem = (g0, g1), (o0, o1)
        sid = lax.axis_index("s")
        wid = sid * _NC + lax.axis_index("c")
        base = wid * rows_pw
        pltpu.sync_copy(iw_hbm.at[wid], iw_v)
        pltpu.sync_copy(ip_hbm.at[wid], ip_v)

        def fire_gathers(k, b):
            pltpu.async_copy(wt_hbm.at[iw_v.at[k]], w_v[b], gsem[b])
            pltpu.async_copy(pt_hbm.at[ip_v.at[k]], p_v[b], gsem[b])

        def wait_gathers(k, b):
            pltpu.make_async_copy(wt_hbm.at[iw_v.at[k]],
                                  w_v[b], gsem[b]).wait()
            pltpu.make_async_copy(pt_hbm.at[ip_v.at[k]],
                                  p_v[b], gsem[b]).wait()

        def wait_out(k, b):
            off = k * chunk
            pltpu.make_async_copy(r_v[b], out_hbm.at[pl.ds(base + off, chunk)],
                                  osem[b]).wait()

        for b in range(_NBUF):
            fire_gathers(b, b)
        pltpu.sync_copy(it_hbm.at[pl.ds(base, rows_pw)],
                        it_v.at[pl.ds(0, rows_pw)])
        pltpu.sync_copy(tt_hbm, tt_v)

        def do_group(g, carry):
            for b in range(_NBUF):
                k = g * _NBUF + b
                wait_gathers(k, b)

                @pl.when(g >= 1)
                def _():
                    wait_out(k - _NBUF, b)

                tg = it_v[pl.ds(k * chunk, _LANES)].astype(jnp.float32)
                facs = []
                for r in range(chunk):
                    facs.append(jnp.full((_LANES,), tg[r], jnp.float32))

                def do_slice(j, carry2):
                    s = pl.ds(j * _LANES, _LANES)
                    t0 = tt_v[0, s]
                    dt = tt_v[1, s] - t0
                    for r in range(chunk):
                        r_v[b][r, s] = (w_v[b][r, s] + p_v[b][r, s]
                                        + (t0 + facs[r] * dt))
                    return carry2

                lax.fori_loop(0, n_slices, do_slice, 0)
                pltpu.async_copy(r_v[b], out_hbm.at[pl.ds(base + k * chunk, chunk)],
                                 osem[b])

                @pl.when(k + _NBUF < n_chunks)
                def _():
                    fire_gathers(k + _NBUF, b)
            return carry

        lax.fori_loop(0, n_chunks // _NBUF, do_group, 0)
        for b in range(_NBUF):
            wait_out(n_chunks - _NBUF + b, b)

    return body


def kernel(input_ids, position_ids, token_type_ids, word_embeddings,
           position_embeddings, token_type_embeddings):
    b, s = input_ids.shape
    n_rows = b * s
    rows_pw = n_rows // _NW
    chunk = 16
    iw = input_ids.reshape(_NW, rows_pw // chunk, chunk).astype(jnp.int32)
    ip = position_ids.reshape(_NW, rows_pw // chunk, chunk).astype(jnp.int32)
    it = token_type_ids.reshape(n_rows).astype(jnp.int32)
    n_type = token_type_embeddings.shape[0]
    assert n_type == 2, "kernel specialized for a 2-row token-type table"
    k = _emb_kernel(n_rows, rows_pw, chunk=16, n_type=n_type)
    out = k(iw, ip, it, word_embeddings, position_embeddings,
            token_type_embeddings)
    return out.reshape(b, s, _D)

# --- scband reference (transcript-rebuilt; emitter-appended) ---
"""Pipeline reference for scband-bert-embeddings-39702677684900 (READ-ONLY COPY).

The authoritative reference and input builder live on the scoring server;
editing this copy changes nothing except your own understanding.
"""

import jax, jax.numpy as jnp
import numpy as np

VOCAB = 100000
MAX_POS = 2048
TYPE_VOCAB = 2
EMBED_DIM = 768
B, S = 4, 2048


def setup_inputs(seed: int = 0) -> dict:
    key = jax.random.key(seed)
    k1, k2, k3, k4, k5, k6 = jax.random.split(key, 6)
    input_ids = jax.random.randint(k1, (B, S), 0, VOCAB, dtype=jnp.int64) if jax.config.jax_enable_x64 else jax.random.randint(k1, (B, S), 0, VOCAB, dtype=jnp.int32)
    position_ids = jax.random.randint(k2, (B, S), 0, MAX_POS, dtype=input_ids.dtype)
    token_type_ids = jax.random.randint(k3, (B, S), 0, TYPE_VOCAB, dtype=input_ids.dtype)
    word_embeddings = jax.random.normal(k4, (VOCAB, EMBED_DIM), dtype=jnp.float32) * 0.02
    position_embeddings = jax.random.normal(k5, (MAX_POS, EMBED_DIM), dtype=jnp.float32) * 0.02
    token_type_embeddings = jax.random.normal(k6, (TYPE_VOCAB, EMBED_DIM), dtype=jnp.float32) * 0.02
    return {
        "input_ids": input_ids,
        "position_ids": position_ids,
        "token_type_ids": token_type_ids,
        "word_embeddings": word_embeddings,
        "position_embeddings": position_embeddings,
        "token_type_embeddings": token_type_embeddings,
    }


def reference(input_ids, position_ids, token_type_ids, word_embeddings, position_embeddings, token_type_embeddings):
    # word embedding lookup
    embeddings = jnp.take(word_embeddings, input_ids, axis=0)
    # position embedding lookup (max_position_embeddings > 0)
    pos_emb = jnp.take(position_embeddings, position_ids, axis=0)
    embeddings = embeddings + pos_emb
    # token type embedding lookup (type_vocab_size > 0)
    type_emb = jnp.take(token_type_embeddings, token_type_ids, axis=0)
    embeddings = embeddings + type_emb
    return embeddings

if __name__ == "__main__":
    import jax
    _d = setup_inputs()
    print(jax.jit(kernel)(*tuple(_d.values())))

</pallas_src>

<mosaic_0001>
#map = affine_map<(d0, d1) -> (0, 0, 0)>
#map1 = affine_map<(d0, d1) -> (0)>
#map2 = affine_map<(d0, d1) -> (0, 0)>
module attributes {stable_mosaic.version = 14 : i64} {
  func.func @body(%arg0: i32, %arg1: i32, %arg2: memref<32x16x16xi32, #tpu.memory_space<hbm>>, %arg3: memref<32x16x16xi32, #tpu.memory_space<hbm>>, %arg4: memref<8192xi32, #tpu.memory_space<hbm>>, %arg5: memref<100000x768xf32, #tpu.memory_space<hbm>>, %arg6: memref<2048x768xf32, #tpu.memory_space<hbm>>, %arg7: memref<2x768xf32, #tpu.memory_space<hbm>>, %arg8: memref<8192x768xf32, #tpu.memory_space<hbm>>, %arg9: memref<16x16xi32, #tpu.memory_space<vmem>>, %arg10: memref<16x16xi32, #tpu.memory_space<vmem>>, %arg11: memref<272xi32, #tpu.memory_space<vmem>>, %arg12: memref<2x768xf32, #tpu.memory_space<vmem>>, %arg13: memref<16x768xf32, #tpu.memory_space<vmem>>, %arg14: memref<16x768xf32, #tpu.memory_space<vmem>>, %arg15: memref<16x768xf32, #tpu.memory_space<vmem>>, %arg16: memref<16x768xf32, #tpu.memory_space<vmem>>, %arg17: memref<16x768xf32, #tpu.memory_space<vmem>>, %arg18: memref<16x768xf32, #tpu.memory_space<vmem>>, %arg19: memref<!tpu.dma_semaphore, #tpu.memory_space<semaphore_mem>>, %arg20: memref<!tpu.dma_semaphore, #tpu.memory_space<semaphore_mem>>, %arg21: memref<!tpu.dma_semaphore, #tpu.memory_space<semaphore_mem>>, %arg22: memref<!tpu.dma_semaphore, #tpu.memory_space<semaphore_mem>>) attributes {dimension_semantics = [#tpu.dimension_semantics<core_parallel>, #tpu.dimension_semantics<subcore_parallel>], iteration_bounds = array<i64: 2, 16>, scalar_prefetch = 0 : i64, scratch_operands = 14 : i64, tpu.core_type = #tpu.core_type<sc_vector_subcore>, window_params = [{transform_indices = #map}, {transform_indices = #map}, {transform_indices = #map1}, {transform_indices = #map2}, {transform_indices = #map2}, {transform_indices = #map2}, {transform_indices = #map2}]} {
    %mul3A = arith.constant 2 : i32
    %mul3A_0 = arith.muli %arg1, %mul3A : i32
    %add3A = arith.addi %mul3A_0, %arg0 : i32
    %mul3A_1 = arith.constant 256 : i32
    %mul3A_2 = arith.muli %add3A, %mul3A_1 : i32
    "tpu.region"() ({
      %run_scoped3A = tpu.sem_alloc : memref<!tpu.dma_semaphore, #tpu.memory_space<semaphore_mem>>
      %dma_start3A_46 = arith.constant 0 : i32
      %dma_start3A_47 = arith.constant 0 : i32
      %dma_start3A_48 = tpu.memref_slice %arg2[%add3A, %dma_start3A_46, %dma_start3A_47] : memref<32x16x16xi32, #tpu.memory_space<hbm>> -> memref<1x16x16xi32, #tpu.memory_space<hbm>>
      %dma_start3A_49 = tpu.memref_squeeze %dma_start3A_48 : memref<1x16x16xi32, #tpu.memory_space<hbm>> -> memref<16x16xi32, #tpu.memory_space<hbm>>
      %dma_start3A_50 = arith.constant 0 : i32
      %dma_start3A_51 = arith.constant 0 : i32
      %dma_start3A_52 = tpu.memref_slice %arg2[%add3A, %dma_start3A_50, %dma_start3A_51] : memref<32x16x16xi32, #tpu.memory_space<hbm>> -> memref<1x16x16xi32, #tpu.memory_space<hbm>>
      %dma_start3A_53 = tpu.memref_squeeze %dma_start3A_52 : memref<1x16x16xi32, #tpu.memory_space<hbm>> -> memref<16x16xi32, #tpu.memory_space<hbm>>
      tpu.enqueue_dma source(%dma_start3A_53 : memref<16x16xi32, #tpu.memory_space<hbm>>) target(%arg9 : memref<16x16xi32, #tpu.memory_space<vmem>>) target_semaphore(%run_scoped3A : memref<!tpu.dma_semaphore, #tpu.memory_space<semaphore_mem>>)
      %dma_wait3A_54 = arith.constant 0 : i32
      %dma_wait3A_55 = arith.constant 0 : i32
      %dma_wait3A_56 = tpu.memref_slice %arg2[%add3A, %dma_wait3A_54, %dma_wait3A_55] : memref<32x16x16xi32, #tpu.memory_space<hbm>> -> memref<1x16x16xi32, #tpu.memory_space<hbm>>
      %dma_wait3A_57 = tpu.memref_squeeze %dma_wait3A_56 : memref<1x16x16xi32, #tpu.memory_space<hbm>> -> memref<16x16xi32, #tpu.memory_space<hbm>>
      %dma_wait3A_58 = arith.constant 0 : i32
      %dma_wait3A_59 = arith.constant 0 : i32
      %dma_wait3A_60 = tpu.memref_slice %arg2[%add3A, %dma_wait3A_58, %dma_wait3A_59] : memref<32x16x16xi32, #tpu.memory_space<hbm>> -> memref<1x16x16xi32, #tpu.memory_space<hbm>>
      %dma_wait3A_61 = tpu.memref_squeeze %dma_wait3A_60 : memref<1x16x16xi32, #tpu.memory_space<hbm>> -> memref<16x16xi32, #tpu.memory_space<hbm>>
      tpu.wait_dma2 semaphore(%run_scoped3A : memref<!tpu.dma_semaphore, #tpu.memory_space<semaphore_mem>>) src(%dma_wait3A_61 : memref<16x16xi32, #tpu.memory_space<hbm>>) dst(%arg9 : memref<16x16xi32, #tpu.memory_space<vmem>>)
      tpu.yield
    }) : () -> ()
    "tpu.region"() ({
      %run_scoped3A = tpu.sem_alloc : memref<!tpu.dma_semaphore, #tpu.memory_space<semaphore_mem>>
      %dma_start3A_46 = arith.constant 0 : i32
      %dma_start3A_47 = arith.constant 0 : i32
      %dma_start3A_48 = tpu.memref_slice %arg3[%add3A, %dma_start3A_46, %dma_start3A_47] : memref<32x16x16xi32, #tpu.memory_space<hbm>> -> memref<1x16x16xi32, #tpu.memory_space<hbm>>
      %dma_start3A_49 = tpu.memref_squeeze %dma_start3A_48 : memref<1x16x16xi32, #tpu.memory_space<hbm>> -> memref<16x16xi32, #tpu.memory_space<hbm>>
      %dma_start3A_50 = arith.constant 0 : i32
      %dma_start3A_51 = arith.constant 0 : i32
      %dma_start3A_52 = tpu.memref_slice %arg3[%add3A, %dma_start3A_50, %dma_start3A_51] : memref<32x16x16xi32, #tpu.memory_space<hbm>> -> memref<1x16x16xi32, #tpu.memory_space<hbm>>
      %dma_start3A_53 = tpu.memref_squeeze %dma_start3A_52 : memref<1x16x16xi32, #tpu.memory_space<hbm>> -> memref<16x16xi32, #tpu.memory_space<hbm>>
      tpu.enqueue_dma source(%dma_start3A_53 : memref<16x16xi32, #tpu.memory_space<hbm>>) target(%arg10 : memref<16x16xi32, #tpu.memory_space<vmem>>) target_semaphore(%run_scoped3A : memref<!tpu.dma_semaphore, #tpu.memory_space<semaphore_mem>>)
      %dma_wait3A_54 = arith.constant 0 : i32
      %dma_wait3A_55 = arith.constant 0 : i32
      %dma_wait3A_56 = tpu.memref_slice %arg3[%add3A, %dma_wait3A_54, %dma_wait3A_55] : memref<32x16x16xi32, #tpu.memory_space<hbm>> -> memref<1x16x16xi32, #tpu.memory_space<hbm>>
      %dma_wait3A_57 = tpu.memref_squeeze %dma_wait3A_56 : memref<1x16x16xi32, #tpu.memory_space<hbm>> -> memref<16x16xi32, #tpu.memory_space<hbm>>
      %dma_wait3A_58 = arith.constant 0 : i32
      %dma_wait3A_59 = arith.constant 0 : i32
      %dma_wait3A_60 = tpu.memref_slice %arg3[%add3A, %dma_wait3A_58, %dma_wait3A_59] : memref<32x16x16xi32, #tpu.memory_space<hbm>> -> memref<1x16x16xi32, #tpu.memory_space<hbm>>
      %dma_wait3A_61 = tpu.memref_squeeze %dma_wait3A_60 : memref<1x16x16xi32, #tpu.memory_space<hbm>> -> memref<16x16xi32, #tpu.memory_space<hbm>>
      tpu.wait_dma2 semaphore(%run_scoped3A : memref<!tpu.dma_semaphore, #tpu.memory_space<semaphore_mem>>) src(%dma_wait3A_61 : memref<16x16xi32, #tpu.memory_space<hbm>>) dst(%arg10 : memref<16x16xi32, #tpu.memory_space<vmem>>)
      tpu.yield
    }) : () -> ()
    %dma_start3A = arith.constant 0 : i32
    %dma_start3A_3 = arith.constant 0 : i32
    %dma_start3A_4 = tpu.memref_slice %arg9[%dma_start3A, %dma_start3A_3] : memref<16x16xi32, #tpu.memory_space<vmem>> -> memref<1x16xi32, #tpu.memory_space<vmem>>
    %dma_start3A_5 = tpu.memref_squeeze %dma_start3A_4 : memref<1x16xi32, #tpu.memory_space<vmem>> -> memref<16xi32, #tpu.memory_space<vmem>>
    %dma_start3A_6 = arith.constant 0 : i32
    %dma_start3A_7 = arith.constant 0 : i32
    %dma_start3A_8 = tpu.memref_slice %arg5[%dma_start3A_6, %dma_start3A_7] : memref<100000x768xf32, #tpu.memory_space<hbm>> -> memref<100000x768xf32, #tpu.memory_space<hbm>>
    tpu.enqueue_indirect_dma source(%dma_start3A_8 : memref<100000x768xf32, #tpu.memory_space<hbm>>) target(%arg13 : memref<16x768xf32, #tpu.memory_space<vmem>>) offsets(%dma_start3A_5 : memref<16xi32, #tpu.memory_space<vmem>>) semaphore(%arg19 : memref<!tpu.dma_semaphore, #tpu.memory_space<semaphore_mem>>)
    %dma_start3A_9 = arith.constant 0 : i32
    %dma_start3A_10 = arith.constant 0 : i32
    %dma_start3A_11 = tpu.memref_slice %arg10[%dma_start3A_9, %dma_start3A_10] : memref<16x16xi32, #tpu.memory_space<vmem>> -> memref<1x16xi32, #tpu.memory_space<vmem>>
    %dma_start3A_12 = tpu.memref_squeeze %dma_start3A_11 : memref<1x16xi32, #tpu.memory_space<vmem>> -> memref<16xi32, #tpu.memory_space<vmem>>
    %dma_start3A_13 = arith.constant 0 : i32
    %dma_start3A_14 = arith.constant 0 : i32
    %dma_start3A_15 = tpu.memref_slice %arg6[%dma_start3A_13, %dma_start3A_14] : memref<2048x768xf32, #tpu.memory_space<hbm>> -> memref<2048x768xf32, #tpu.memory_space<hbm>>
    tpu.enqueue_indirect_dma source(%dma_start3A_15 : memref<2048x768xf32, #tpu.memory_space<hbm>>) target(%arg14 : memref<16x768xf32, #tpu.memory_space<vmem>>) offsets(%dma_start3A_12 : memref<16xi32, #tpu.memory_space<vmem>>) semaphore(%arg19 : memref<!tpu.dma_semaphore, #tpu.memory_space<semaphore_mem>>)
    %dma_start3A_16 = arith.constant 1 : i32
    %dma_start3A_17 = arith.constant 0 : i32
    %dma_start3A_18 = tpu.memref_slice %arg9[%dma_start3A_16, %dma_start3A_17] : memref<16x16xi32, #tpu.memory_space<vmem>> -> memref<1x16xi32, #tpu.memory_space<vmem>>
    %dma_start3A_19 = tpu.memref_squeeze %dma_start3A_18 : memref<1x16xi32, #tpu.memory_space<vmem>> -> memref<16xi32, #tpu.memory_space<vmem>>
    %dma_start3A_20 = arith.constant 0 : i32
    %dma_start3A_21 = arith.constant 0 : i32
    %dma_start3A_22 = tpu.memref_slice %arg5[%dma_start3A_20, %dma_start3A_21] : memref<100000x768xf32, #tpu.memory_space<hbm>> -> memref<100000x768xf32, #tpu.memory_space<hbm>>
    tpu.enqueue_indirect_dma source(%dma_start3A_22 : memref<100000x768xf32, #tpu.memory_space<hbm>>) target(%arg16 : memref<16x768xf32, #tpu.memory_space<vmem>>) offsets(%dma_start3A_19 : memref<16xi32, #tpu.memory_space<vmem>>) semaphore(%arg20 : memref<!tpu.dma_semaphore, #tpu.memory_space<semaphore_mem>>)
    %dma_start3A_23 = arith.constant 1 : i32
    %dma_start3A_24 = arith.constant 0 : i32
    %dma_start3A_25 = tpu.memref_slice %arg10[%dma_start3A_23, %dma_start3A_24] : memref<16x16xi32, #tpu.memory_space<vmem>> -> memref<1x16xi32, #tpu.memory_space<vmem>>
    %dma_start3A_26 = tpu.memref_squeeze %dma_start3A_25 : memref<1x16xi32, #tpu.memory_space<vmem>> -> memref<16xi32, #tpu.memory_space<vmem>>
    %dma_start3A_27 = arith.constant 0 : i32
    %dma_start3A_28 = arith.constant 0 : i32
    %dma_start3A_29 = tpu.memref_slice %arg6[%dma_start3A_27, %dma_start3A_28] : memref<2048x768xf32, #tpu.memory_space<hbm>> -> memref<2048x768xf32, #tpu.memory_space<hbm>>
    tpu.enqueue_indirect_dma source(%dma_start3A_29 : memref<2048x768xf32, #tpu.memory_space<hbm>>) target(%arg17 : memref<16x768xf32, #tpu.memory_space<vmem>>) offsets(%dma_start3A_26 : memref<16xi32, #tpu.memory_space<vmem>>) semaphore(%arg20 : memref<!tpu.dma_semaphore, #tpu.memory_space<semaphore_mem>>)
    "tpu.region"() ({
      %run_scoped3A = tpu.sem_alloc : memref<!tpu.dma_semaphore, #tpu.memory_space<semaphore_mem>>
      %dma_start3A_46 = arith.constant 0 : i32
      %dma_start3A_47 = tpu.memref_slice %arg11[%dma_start3A_46] : memref<272xi32, #tpu.memory_space<vmem>> -> memref<256xi32, #tpu.memory_space<vmem>>
      %dma_start3A_48 = tpu.memref_slice %arg4[%mul3A_2] : memref<8192xi32, #tpu.memory_space<hbm>> -> memref<256xi32, #tpu.memory_space<hbm>>
      %dma_start3A_49 = arith.constant 0 : i32
      %dma_start3A_50 = tpu.memref_slice %arg11[%dma_start3A_49] : memref<272xi32, #tpu.memory_space<vmem>> -> memref<256xi32, #tpu.memory_space<vmem>>
      %dma_start3A_51 = tpu.memref_slice %arg4[%mul3A_2] : memref<8192xi32, #tpu.memory_space<hbm>> -> memref<256xi32, #tpu.memory_space<hbm>>
      tpu.enqueue_dma source(%dma_start3A_51 : memref<256xi32, #tpu.memory_space<hbm>>) target(%dma_start3A_50 : memref<256xi32, #tpu.memory_space<vmem>>) target_semaphore(%run_scoped3A : memref<!tpu.dma_semaphore, #tpu.memory_space<semaphore_mem>>)
      %dma_wait3A_52 = arith.constant 0 : i32
      %dma_wait3A_53 = tpu.memref_slice %arg11[%dma_wait3A_52] : memref<272xi32, #tpu.memory_space<vmem>> -> memref<256xi32, #tpu.memory_space<vmem>>
      %dma_wait3A_54 = tpu.memref_slice %arg4[%mul3A_2] : memref<8192xi32, #tpu.memory_space<hbm>> -> memref<256xi32, #tpu.memory_space<hbm>>
      %dma_wait3A_55 = arith.constant 0 : i32
      %dma_wait3A_56 = tpu.memref_slice %arg11[%dma_wait3A_55] : memref<272xi32, #tpu.memory_space<vmem>> -> memref<256xi32, #tpu.memory_space<vmem>>
      %dma_wait3A_57 = tpu.memref_slice %arg4[%mul3A_2] : memref<8192xi32, #tpu.memory_space<hbm>> -> memref<256xi32, #tpu.memory_space<hbm>>
      tpu.wait_dma2 semaphore(%run_scoped3A : memref<!tpu.dma_semaphore, #tpu.memory_space<semaphore_mem>>) src(%dma_wait3A_57 : memref<256xi32, #tpu.memory_space<hbm>>) dst(%dma_wait3A_56 : memref<256xi32, #tpu.memory_space<vmem>>)
      tpu.yield
    }) : () -> ()
    "tpu.region"() ({
      %run_scoped3A = tpu.sem_alloc : memref<!tpu.dma_semaphore, #tpu.memory_space<semaphore_mem>>
      tpu.enqueue_dma source(%arg7 : memref<2x768xf32, #tpu.memory_space<hbm>>) target(%arg12 : memref<2x768xf32, #tpu.memory_space<vmem>>) target_semaphore(%run_scoped3A : memref<!tpu.dma_semaphore, #tpu.memory_space<semaphore_mem>>)
      tpu.wait_dma2 semaphore(%run_scoped3A : memref<!tpu.dma_semaphore, #tpu.memory_space<semaphore_mem>>) src(%arg7 : memref<2x768xf32, #tpu.memory_space<hbm>>) dst(%arg12 : memref<2x768xf32, #tpu.memory_space<vmem>>)
      tpu.yield
    }) : () -> ()
    %scan3A = arith.constant 0 : i32
    %scan3A_30 = arith.constant 0 : i32
    %scan3A_31 = arith.constant 8 : i32
    %scan3A_32 = arith.addi %scan3A_30, %scan3A_31 : i32
    %scan3A_33 = arith.constant 1 : i32
    scf.for %scan3A_46 = %scan3A_30 to %scan3A_32 step %scan3A_33  : i32 {
      %mul3A_47 = arith.constant 2 : i32
      %mul3A_48 = arith.muli %scan3A_46, %mul3A_47 : i32
      %add3A_49 = arith.constant 0 : i32
      %add3A_50 = arith.addi %mul3A_48, %add3A_49 : i32
      %dma_wait3A_51 = arith.constant 0 : i32
      %dma_wait3A_52 = tpu.memref_slice %arg9[%add3A_50, %dma_wait3A_51] : memref<16x16xi32, #tpu.memory_space<vmem>> -> memref<1x16xi32, #tpu.memory_space<vmem>>
      %dma_wait3A_53 = tpu.memref_squeeze %dma_wait3A_52 : memref<1x16xi32, #tpu.memory_space<vmem>> -> memref<16xi32, #tpu.memory_space<vmem>>
      %dma_wait3A_54 = arith.constant 0 : i32
      %dma_wait3A_55 = arith.constant 0 : i32
      %dma_wait3A_56 = tpu.memref_slice %arg5[%dma_wait3A_54, %dma_wait3A_55] : memref<100000x768xf32, #tpu.memory_space<hbm>> -> memref<100000x768xf32, #tpu.memory_space<hbm>>
      tpu.wait_indirect_dma semaphore(%arg19 : memref<!tpu.dma_semaphore, #tpu.memory_space<semaphore_mem>>) src(%dma_wait3A_56 : memref<100000x768xf32, #tpu.memory_space<hbm>>) dst(%arg13 : memref<16x768xf32, #tpu.memory_space<vmem>>)
      %dma_wait3A_57 = arith.constant 0 : i32
      %dma_wait3A_58 = tpu.memref_slice %arg10[%add3A_50, %dma_wait3A_57] : memref<16x16xi32, #tpu.memory_space<vmem>> -> memref<1x16xi32, #tpu.memory_space<vmem>>
      %dma_wait3A_59 = tpu.memref_squeeze %dma_wait3A_58 : memref<1x16xi32, #tpu.memory_space<vmem>> -> memref<16xi32, #tpu.memory_space<vmem>>
      %dma_wait3A_60 = arith.constant 0 : i32
      %dma_wait3A_61 = arith.constant 0 : i32
      %dma_wait3A_62 = tpu.memref_slice %arg6[%dma_wait3A_60, %dma_wait3A_61] : memref<2048x768xf32, #tpu.memory_space<hbm>> -> memref<2048x768xf32, #tpu.memory_space<hbm>>
      tpu.wait_indirect_dma semaphore(%arg19 : memref<!tpu.dma_semaphore, #tpu.memory_space<semaphore_mem>>) src(%dma_wait3A_62 : memref<2048x768xf32, #tpu.memory_space<hbm>>) dst(%arg14 : memref<16x768xf32, #tpu.memory_space<vmem>>)
      %ge3A = arith.constant 1 : i32
      %ge3A_63 = arith.cmpi sge, %scan3A_46, %ge3A : i32
      %convert_element_type3A = arith.extui %ge3A_63 : i1 to i32
      %cond3A = arith.constant 0 : i32
      %cond3A_64 = arith.cmpi ne, %convert_element_type3A, %cond3A : i32
      scf.if %cond3A_64 {
        %sub3A = arith.constant 2 : i32
        %sub3A_229 = arith.subi %add3A_50, %sub3A : i32
        %mul3A_230 = arith.constant 16 : i32
        %mul3A_231 = arith.muli %sub3A_229, %mul3A_230 : i32
        %add3A_232 = arith.addi %mul3A_2, %mul3A_231 : i32
        %dma_wait3A_233 = arith.constant 0 : i32
        %dma_wait3A_234 = tpu.memref_slice %arg8[%add3A_232, %dma_wait3A_233] : memref<8192x768xf32, #tpu.memory_space<hbm>> -> memref<16x768xf32, #tpu.memory_space<hbm>>
        %dma_wait3A_235 = arith.constant 0 : i32
        %dma_wait3A_236 = tpu.memref_slice %arg8[%add3A_232, %dma_wait3A_235] : memref<8192x768xf32, #tpu.memory_space<hbm>> -> memref<16x768xf32, #tpu.memory_space<hbm>>
        tpu.wait_dma2 semaphore(%arg21 : memref<!tpu.dma_semaphore, #tpu.memory_space<semaphore_mem>>) src(%arg15 : memref<16x768xf32, #tpu.memory_space<vmem>>) dst(%dma_wait3A_236 : memref<16x768xf32, #tpu.memory_space<hbm>>)
      } else {
      }
      %mul3A_65 = arith.constant 16 : i32
      %mul3A_66 = arith.muli %add3A_50, %mul3A_65 : i32
      %get3A = arith.index_cast %mul3A_66 : i32 to index
      %get3A_67 = tpu.vector_load %arg11[%get3A] {strides = array<i32>} : memref<272xi32, #tpu.memory_space<vmem>>, vector<16xi32>,
      %get3A_68 = vector.shape_cast %get3A_67 : vector<16xi32> to vector<16xi32>
      %convert_element_type3A_69 = arith.sitofp %get3A_68 : vector<16xi32> to vector<16xf32>
      %slice3A = vector.extract_strided_slice %convert_element_type3A_69 {offsets = [0], sizes = [1], strides = [1]} : vector<16xf32> to vector<1xf32>
      %squeeze3A = vector.extract %slice3A[0] : f32 from vector<1xf32>
      %broadcast_in_dim3A = vector.broadcast %squeeze3A : f32 to vector<16xf32>
      %slice3A_70 = vector.extract_strided_slice %convert_element_type3A_69 {offsets = [1], sizes = [1], strides = [1]} : vector<16xf32> to vector<1xf32>
      %squeeze3A_71 = vector.extract %slice3A_70[0] : f32 from vector<1xf32>
      %broadcast_in_dim3A_72 = vector.broadcast %squeeze3A_71 : f32 to vector<16xf32>
      %slice3A_73 = vector.extract_strided_slice %convert_element_type3A_69 {offsets = [2], sizes = [1], strides = [1]} : vector<16xf32> to vector<1xf32>
      %squeeze3A_74 = vector.extract %slice3A_73[0] : f32 from vector<1xf32>
      %broadcast_in_dim3A_75 = vector.broadcast %squeeze3A_74 : f32 to vector<16xf32>
      %slice3A_76 = vector.extract_strided_slice %convert_element_type3A_69 {offsets = [3], sizes = [1], strides = [1]} : vector<16xf32> to vector<1xf32>
      %squeeze3A_77 = vector.extract %slice3A_76[0] : f32 from vector<1xf32>
      %broadcast_in_dim3A_78 = vector.broadcast %squeeze3A_77 : f32 to vector<16xf32>
      %slice3A_79 = vector.extract_strided_slice %convert_element_type3A_69 {offsets = [4], sizes = [1], strides = [1]} : vector<16xf32> to vector<1xf32>
      %squeeze3A_80 = vector.extract %slice3A_79[0] : f32 from vector<1xf32>
      %broadcast_in_dim3A_81 = vector.broadcast %squeeze3A_80 : f32 to vector<16xf32>
      %slice3A_82 = vector.extract_strided_slice %convert_element_type3A_69 {offsets = [5], sizes = [1], strides = [1]} : vector<16xf32> to vector<1xf32>
      %squeeze3A_83 = vector.extract %slice3A_82[0] : f32 from vector<1xf32>
      %broadcast_in_dim3A_84 = vector.broadcast %squeeze3A_83 : f32 to vector<16xf32>
      %slice3A_85 = vector.extract_strided_slice %convert_element_type3A_69 {offsets = [6], sizes = [1], strides = [1]} : vector<16xf32> to vector<1xf32>
      %squeeze3A_86 = vector.extract %slice3A_85[0] : f32 from vector<1xf32>
      %broadcast_in_dim3A_87 = vector.broadcast %squeeze3A_86 : f32 to vector<16xf32>
      %slice3A_88 = vector.extract_strided_slice %convert_element_type3A_69 {offsets = [7], sizes = [1], strides = [1]} : vector<16xf32> to vector<1xf32>
      %squeeze3A_89 = vector.extract %slice3A_88[0] : f32 from vector<1xf32>
      %broadcast_in_dim3A_90 = vector.broadcast %squeeze3A_89 : f32 to vector<16xf32>
      %slice3A_91 = vector.extract_strided_slice %convert_element_type3A_69 {offsets = [8], sizes = [1], strides = [1]} : vector<16xf32> to vector<1xf32>
      %squeeze3A_92 = vector.extract %slice3A_91[0] : f32 from vector<1xf32>
      %broadcast_in_dim3A_93 = vector.broadcast %squeeze3A_92 : f32 to vector<16xf32>
      %slice3A_94 = vector.extract_strided_slice %convert_element_type3A_69 {offsets = [9], sizes = [1], strides = [1]} : vector<16xf32> to vector<1xf32>
      %squeeze3A_95 = vector.extract %slice3A_94[0] : f32 from vector<1xf32>
      %broadcast_in_dim3A_96 = vector.broadcast %squeeze3A_95 : f32 to vector<16xf32>
      %slice3A_97 = vector.extract_strided_slice %convert_element_type3A_69 {offsets = [10], sizes = [1], strides = [1]} : vector<16xf32> to vector<1xf32>
      %squeeze3A_98 = vector.extract %slice3A_97[0] : f32 from vector<1xf32>
      %broadcast_in_dim3A_99 = vector.broadcast %squeeze3A_98 : f32 to vector<16xf32>
      %slice3A_100 = vector.extract_strided_slice %convert_element_type3A_69 {offsets = [11], sizes = [1], strides = [1]} : vector<16xf32> to vector<1xf32>
      %squeeze3A_101 = vector.extract %slice3A_100[0] : f32 from vector<1xf32>
      %broadcast_in_dim3A_102 = vector.broadcast %squeeze3A_101 : f32 to vector<16xf32>
      %slice3A_103 = vector.extract_strided_slice %convert_element_type3A_69 {offsets = [12], sizes = [1], strides = [1]} : vector<16xf32> to vector<1xf32>
      %squeeze3A_104 = vector.extract %slice3A_103[0] : f32 from vector<1xf32>
      %broadcast_in_dim3A_105 = vector.broadcast %squeeze3A_104 : f32 to vector<16xf32>
      %slice3A_106 = vector.extract_strided_slice %convert_element_type3A_69 {offsets = [13], sizes = [1], strides = [1]} : vector<16xf32> to vector<1xf32>
      %squeeze3A_107 = vector.extract %slice3A_106[0] : f32 from vector<1xf32>
      %broadcast_in_dim3A_108 = vector.broadcast %squeeze3A_107 : f32 to vector<16xf32>
      %slice3A_109 = vector.extract_strided_slice %convert_element_type3A_69 {offsets = [14], sizes = [1], strides = [1]} : vector<16xf32> to vector<1xf32>
      %squeeze3A_110 = vector.extract %slice3A_109[0] : f32 from vector<1xf32>
      %broadcast_in_dim3A_111 = vector.broadcast %squeeze3A_110 : f32 to vector<16xf32>
      %slice3A_112 = vector.extract_strided_slice %convert_element_type3A_69 {offsets = [15], sizes = [1], strides = [1]} : vector<16xf32> to vector<1xf32>
      %squeeze3A_113 = vector.extract %slice3A_112[0] : f32 from vector<1xf32>
      %broadcast_in_dim3A_114 = vector.broadcast %squeeze3A_113 : f32 to vector<16xf32>
      %scan3A_115 = arith.constant 0 : i32
      %scan3A_116 = arith.constant 0 : i32
      %scan3A_117 = arith.constant 48 : i32
      %scan3A_118 = arith.addi %scan3A_116, %scan3A_117 : i32
      %scan3A_119 = arith.constant 1 : i32
      scf.for %scan3A_229 = %scan3A_116 to %scan3A_118 step %scan3A_119  : i32 {
        %mul3A_230 = arith.constant 16 : i32
        %mul3A_231 = arith.muli %scan3A_229, %mul3A_230 : i32
        %get3A_232 = arith.constant 0 : i32
        %get3A_233 = arith.index_cast %get3A_232 : i32 to index
        %get3A_234 = arith.index_cast %mul3A_231 : i32 to index
        %get3A_235 = tpu.vector_load %arg12[%get3A_233, %get3A_234] {strides = array<i32>} : memref<2x768xf32, #tpu.memory_space<vmem>>, vector<1x16xf32>,
        %get3A_236 = vector.shape_cast %get3A_235 : vector<1x16xf32> to vector<16xf32>
        %get3A_237 = arith.constant 1 : i32
        %get3A_238 = arith.index_cast %get3A_237 : i32 to index
        %get3A_239 = arith.index_cast %mul3A_231 : i32 to index
        %get3A_240 = tpu.vector_load %arg12[%get3A_238, %get3A_239] {strides = array<i32>} : memref<2x768xf32, #tpu.memory_space<vmem>>, vector<1x16xf32>,
        %get3A_241 = vector.shape_cast %get3A_240 : vector<1x16xf32> to vector<16xf32>
        %sub3A = arith.subf %get3A_241, %get3A_236 : vector<16xf32>
        %get3A_242 = arith.constant 0 : i32
        %get3A_243 = arith.index_cast %get3A_242 : i32 to index
        %get3A_244 = arith.index_cast %mul3A_231 : i32 to index
        %get3A_245 = tpu.vector_load %arg13[%get3A_243, %get3A_244] {strides = array<i32>} : memref<16x768xf32, #tpu.memory_space<vmem>>, vector<1x16xf32>,
        %get3A_246 = vector.shape_cast %get3A_245 : vector<1x16xf32> to vector<16xf32>
        %get3A_247 = arith.constant 0 : i32
        %get3A_248 = arith.index_cast %get3A_247 : i32 to index
        %get3A_249 = arith.index_cast %mul3A_231 : i32 to index
        %get3A_250 = tpu.vector_load %arg14[%get3A_248, %get3A_249] {strides = array<i32>} : memref<16x768xf32, #tpu.memory_space<vmem>>, vector<1x16xf32>,
        %get3A_251 = vector.shape_cast %get3A_250 : vector<1x16xf32> to vector<16xf32>
        %add3A_252 = arith.addf %get3A_246, %get3A_251 : vector<16xf32>
        %mul3A_253 = arith.mulf %broadcast_in_dim3A, %sub3A : vector<16xf32>
        %add3A_254 = arith.addf %get3A_236, %mul3A_253 : vector<16xf32>
        %add3A_255 = arith.addf %add3A_252, %add3A_254 : vector<16xf32>
        %swap3A = arith.constant 0 : i32
        %swap3A_256 = arith.index_cast %swap3A : i32 to index
        %swap3A_257 = arith.index_cast %mul3A_231 : i32 to index
        %swap3A_258 = tpu.vector_load %arg15[%swap3A_256, %swap3A_257] {strides = array<i32>} : memref<16x768xf32, #tpu.memory_space<vmem>>, vector<1x16xf32>,
        %swap3A_259 = vector.shape_cast %swap3A_258 : vector<1x16xf32> to vector<16xf32>
        %swap3A_260 = vector.shape_cast %add3A_255 : vector<16xf32> to vector<1x16xf32>
        tpu.vector_store %arg15[%swap3A_256, %swap3A_257], %swap3A_260 {strides = array<i32>} : memref<16x768xf32, #tpu.memory_space<vmem>>, vector<1x16xf32>,
        %get3A_261 = arith.constant 1 : i32
        %get3A_262 = arith.index_cast %get3A_261 : i32 to index
        %get3A_263 = arith.index_cast %mul3A_231 : i32 to index
        %get3A_264 = tpu.vector_load %arg13[%get3A_262, %get3A_263] {strides = array<i32>} : memref<16x768xf32, #tpu.memory_space<vmem>>, vector<1x16xf32>,
        %get3A_265 = vector.shape_cast %get3A_264 : vector<1x16xf32> to vector<16xf32>
        %get3A_266 = arith.constant 1 : i32
        %get3A_267 = arith.index_cast %get3A_266 : i32 to index
        %get3A_268 = arith.index_cast %mul3A_231 : i32 to index
        %get3A_269 = tpu.vector_load %arg14[%get3A_267, %get3A_268] {strides = array<i32>} : memref<16x768xf32, #tpu.memory_space<vmem>>, vector<1x16xf32>,
        %get3A_270 = vector.shape_cast %get3A_269 : vector<1x16xf32> to vector<16xf32>
        %add3A_271 = arith.addf %get3A_265, %get3A_270 : vector<16xf32>
        %mul3A_272 = arith.mulf %broadcast_in_dim3A_72, %sub3A : vector<16xf32>
        %add3A_273 = arith.addf %get3A_236, %mul3A_272 : vector<16xf32>
        %add3A_274 = arith.addf %add3A_271, %add3A_273 : vector<16xf32>
        %swap3A_275 = arith.constant 1 : i32
        %swap3A_276 = arith.index_cast %swap3A_275 : i32 to index
        %swap3A_277 = arith.index_cast %mul3A_231 : i32 to index
        %swap3A_278 = tpu.vector_load %arg15[%swap3A_276, %swap3A_277] {strides = array<i32>} : memref<16x768xf32, #tpu.memory_space<vmem>>, vector<1x16xf32>,
        %swap3A_279 = vector.shape_cast %swap3A_278 : vector<1x16xf32> to vector<16xf32>
        %swap3A_280 = vector.shape_cast %add3A_274 : vector<16xf32> to vector<1x16xf32>
        tpu.vector_store %arg15[%swap3A_276, %swap3A_277], %swap3A_280 {strides = array<i32>} : memref<16x768xf32, #tpu.memory_space<vmem>>, vector<1x16xf32>,
        %get3A_281 = arith.constant 2 : i32
        %get3A_282 = arith.index_cast %get3A_281 : i32 to index
        %get3A_283 = arith.index_cast %mul3A_231 : i32 to index
        %get3A_284 = tpu.vector_load %arg13[%get3A_282, %get3A_283] {strides = array<i32>} : memref<16x768xf32, #tpu.memory_space<vmem>>, vector<1x16xf32>,
        %get3A_285 = vector.shape_cast %get3A_284 : vector<1x16xf32> to vector<16xf32>
        %get3A_286 = arith.constant 2 : i32
        %get3A_287 = arith.index_cast %get3A_286 : i32 to index
        %get3A_288 = arith.index_cast %mul3A_231 : i32 to index
        %get3A_289 = tpu.vector_load %arg14[%get3A_287, %get3A_288] {strides = array<i32>} : memref<16x768xf32, #tpu.memory_space<vmem>>, vector<1x16xf32>,
        %get3A_290 = vector.shape_cast %get3A_289 : vector<1x16xf32> to vector<16xf32>
        %add3A_291 = arith.addf %get3A_285, %get3A_290 : vector<16xf32>
        %mul3A_292 = arith.mulf %broadcast_in_dim3A_75, %sub3A : vector<16xf32>
        %add3A_293 = arith.addf %get3A_236, %mul3A_292 : vector<16xf32>
        %add3A_294 = arith.addf %add3A_291, %add3A_293 : vector<16xf32>
        %swap3A_295 = arith.constant 2 : i32
        %swap3A_296 = arith.index_cast %swap3A_295 : i32 to index
        %swap3A_297 = arith.index_cast %mul3A_231 : i32 to index
        %swap3A_298 = tpu.vector_load %arg15[%swap3A_296, %swap3A_297] {strides = array<i32>} : memref<16x768xf32, #tpu.memory_space<vmem>>, vector<1x16xf32>,
        %swap3A_299 = vector.shape_cast %swap3A_298 : vector<1x16xf32> to vector<16xf32>
        %swap3A_300 = vector.shape_cast %add3A_294 : vector<16xf32> to vector<1x16xf32>
        tpu.vector_store %arg15[%swap3A_296, %swap3A_297], %swap3A_300 {strides = array<i32>} : memref<16x768xf32, #tpu.memory_space<vmem>>, vector<1x16xf32>,
        %get3A_301 = arith.constant 3 : i32
        %get3A_302 = arith.index_cast %get3A_301 : i32 to index
        %get3A_303 = arith.index_cast %mul3A_231 : i32 to index
        %get3A_304 = tpu.vector_load %arg13[%get3A_302, %get3A_303] {strides = array<i32>} : memref<16x768xf32, #tpu.memory_space<vmem>>, vector<1x16xf32>,
        %get3A_305 = vector.shape_cast %get3A_304 : vector<1x16xf32> to vector<16xf32>
        %get3A_306 = arith.constant 3 : i32
        %get3A_307 = arith.index_cast %get3A_306 : i32 to index
        %get3A_308 = arith.index_cast %mul3A_231 : i32 to index
        %get3A_309 = tpu.vector_load %arg14[%get3A_307, %get3A_308] {strides = array<i32>} : memref<16x768xf32, #tpu.memory_space<vmem>>, vector<1x16xf32>,
        %get3A_310 = vector.shape_cast %get3A_309 : vector<1x16xf32> to vector<16xf32>
        %add3A_311 = arith.addf %get3A_305, %get3A_310 : vector<16xf32>
        %mul3A_312 = arith.mulf %broadcast_in_dim3A_78, %sub3A : vector<16xf32>
        %add3A_313 = arith.addf %get3A_236, %mul3A_312 : vector<16xf32>
        %add3A_314 = arith.addf %add3A_311, %add3A_313 : vector<16xf32>
        %swap3A_315 = arith.constant 3 : i32
        %swap3A_316 = arith.index_cast %swap3A_315 : i32 to index
        %swap3A_317 = arith.index_cast %mul3A_231 : i32 to index
        %swap3A_318 = tpu.vector_load %arg15[%swap3A_316, %swap3A_317] {strides = array<i32>} : memref<16x768xf32, #tpu.memory_space<vmem>>, vector<1x16xf32>,
        %swap3A_319 = vector.shape_cast %swap3A_318 : vector<1x16xf32> to vector<16xf32>
        %swap3A_320 = vector.shape_cast %add3A_314 : vector<16xf32> to vector<1x16xf32>
        tpu.vector_store %arg15[%swap3A_316, %swap3A_317], %swap3A_320 {strides = array<i32>} : memref<16x768xf32, #tpu.memory_space<vmem>>, vector<1x16xf32>,
        %get3A_321 = arith.constant 4 : i32
        %get3A_322 = arith.index_cast %get3A_321 : i32 to index
        %get3A_323 = arith.index_cast %mul3A_231 : i32 to index
        %get3A_324 = tpu.vector_load %arg13[%get3A_322, %get3A_323] {strides = array<i32>} : memref<16x768xf32, #tpu.memory_space<vmem>>, vector<1x16xf32>,
        %get3A_325 = vector.shape_cast %get3A_324 : vector<1x16xf32> to vector<16xf32>
        %get3A_326 = arith.constant 4 : i32
        %get3A_327 = arith.index_cast %get3A_326 : i32 to index
        %get3A_328 = arith.index_cast %mul3A_231 : i32 to index
        %get3A_329 = tpu.vector_load %arg14[%get3A_327, %get3A_328] {strides = array<i32>} : memref<16x768xf32, #tpu.memory_space<vmem>>, vector<1x16xf32>,
        %get3A_330 = vector.shape_cast %get3A_329 : vector<1x16xf32> to vector<16xf32>
        %add3A_331 = arith.addf %get3A_325, %get3A_330 : vector<16xf32>
        %mul3A_332 = arith.mulf %broadcast_in_dim3A_81, %sub3A : vector<16xf32>
        %add3A_333 = arith.addf %get3A_236, %mul3A_332 : vector<16xf32>
        %add3A_334 = arith.addf %add3A_331, %add3A_333 : vector<16xf32>
        %swap3A_335 = arith.constant 4 : i32
        %swap3A_336 = arith.index_cast %swap3A_335 : i32 to index
        %swap3A_337 = arith.index_cast %mul3A_231 : i32 to index
        %swap3A_338 = tpu.vector_load %arg15[%swap3A_336, %swap3A_337] {strides = array<i32>} : memref<16x768xf32, #tpu.memory_space<vmem>>, vector<1x16xf32>,
        %swap3A_339 = vector.shape_cast %swap3A_338 : vector<1x16xf32> to vector<16xf32>
        %swap3A_340 = vector.shape_cast %add3A_334 : vector<16xf32> to vector<1x16xf32>
        tpu.vector_store %arg15[%swap3A_336, %swap3A_337], %swap3A_340 {strides = array<i32>} : memref<16x768xf32, #tpu.memory_space<vmem>>, vector<1x16xf32>,
        %get3A_341 = arith.constant 5 : i32
        %get3A_342 = arith.index_cast %get3A_341 : i32 to index
        %get3A_343 = arith.index_cast %mul3A_231 : i32 to index
        %get3A_344 = tpu.vector_load %arg13[%get3A_342, %get3A_343] {strides = array<i32>} : memref<16x768xf32, #tpu.memory_space<vmem>>, vector<1x16xf32>,
        %get3A_345 = vector.shape_cast %get3A_344 : vector<1x16xf32> to vector<16xf32>
        %get3A_346 = arith.constant 5 : i32
        %get3A_347 = arith.index_cast %get3A_346 : i32 to index
        %get3A_348 = arith.index_cast %mul3A_231 : i32 to index
        %get3A_349 = tpu.vector_load %arg14[%get3A_347, %get3A_348] {strides = array<i32>} : memref<16x768xf32, #tpu.memory_space<vmem>>, vector<1x16xf32>,
        %get3A_350 = vector.shape_cast %get3A_349 : vector<1x16xf32> to vector<16xf32>
        %add3A_351 = arith.addf %get3A_345, %get3A_350 : vector<16xf32>
        %mul3A_352 = arith.mulf %broadcast_in_dim3A_84, %sub3A : vector<16xf32>
        %add3A_353 = arith.addf %get3A_236, %mul3A_352 : vector<16xf32>
        %add3A_354 = arith.addf %add3A_351, %add3A_353 : vector<16xf32>
        %swap3A_355 = arith.constant 5 : i32
        %swap3A_356 = arith.index_cast %swap3A_355 : i32 to index
        %swap3A_357 = arith.index_cast %mul3A_231 : i32 to index
        %swap3A_358 = tpu.vector_load %arg15[%swap3A_356, %swap3A_357] {strides = array<i32>} : memref<16x768xf32, #tpu.memory_space<vmem>>, vector<1x16xf32>,
        %swap3A_359 = vector.shape_cast %swap3A_358 : vector<1x16xf32> to vector<16xf32>
        %swap3A_360 = vector.shape_cast %add3A_354 : vector<16xf32> to vector<1x16xf32>
        tpu.vector_store %arg15[%swap3A_356, %swap3A_357], %swap3A_360 {strides = array<i32>} : memref<16x768xf32, #tpu.memory_space<vmem>>, vector<1x16xf32>,
        %get3A_361 = arith.constant 6 : i32
        %get3A_362 = arith.index_cast %get3A_361 : i32 to index
        %get3A_363 = arith.index_cast %mul3A_231 : i32 to index
        %get3A_364 = tpu.vector_load %arg13[%get3A_362, %get3A_363] {strides = array<i32>} : memref<16x768xf32, #tpu.memory_space<vmem>>, vector<1x16xf32>,
        %get3A_365 = vector.shape_cast %get3A_364 : vector<1x16xf32> to vector<16xf32>
        %get3A_366 = arith.constant 6 : i32
        %get3A_367 = arith.index_cast %get3A_366 : i32 to index
        %get3A_368 = arith.index_cast %mul3A_231 : i32 to index
        %get3A_369 = tpu.vector_load %arg14[%get3A_367, %get3A_368] {strides = array<i32>} : memref<16x768xf32, #tpu.memory_space<vmem>>, vector<1x16xf32>,
        %get3A_370 = vector.shape_cast %get3A_369 : vector<1x16xf32> to vector<16xf32>
        %add3A_371 = arith.addf %get3A_365, %get3A_370 : vector<16xf32>
        %mul3A_372 = arith.mulf %broadcast_in_dim3A_87, %sub3A : vector<16xf32>
        %add3A_373 = arith.addf %get3A_236, %mul3A_372 : vector<16xf32>
        %add3A_374 = arith.addf %add3A_371, %add3A_373 : vector<16xf32>
        %swap3A_375 = arith.constant 6 : i32
        %swap3A_376 = arith.index_cast %swap3A_375 : i32 to index
        %swap3A_377 = arith.index_cast %mul3A_231 : i32 to index
        %swap3A_378 = tpu.vector_load %arg15[%swap3A_376, %swap3A_377] {strides = array<i32>} : memref<16x768xf32, #tpu.memory_space<vmem>>, vector<1x16xf32>,
        %swap3A_379 = vector.shape_cast %swap3A_378 : vector<1x16xf32> to vector<16xf32>
        %swap3A_380 = vector.shape_cast %add3A_374 : vector<16xf32> to vector<1x16xf32>
        tpu.vector_store %arg15[%swap3A_376, %swap3A_377], %swap3A_380 {strides = array<i32>} : memref<16x768xf32, #tpu.memory_space<vmem>>, vector<1x16xf32>,
        %get3A_381 = arith.constant 7 : i32
        %get3A_382 = arith.index_cast %get3A_381 : i32 to index
        %get3A_383 = arith.index_cast %mul3A_231 : i32 to index
        %get3A_384 = tpu.vector_load %arg13[%get3A_382, %get3A_383] {strides = array<i32>} : memref<16x768xf32, #tpu.memory_space<vmem>>, vector<1x16xf32>,
        %get3A_385 = vector.shape_cast %get3A_384 : vector<1x16xf32> to vector<16xf32>
        %get3A_386 = arith.constant 7 : i32
        %get3A_387 = arith.index_cast %get3A_386 : i32 to index
        %get3A_388 = arith.index_cast %mul3A_231 : i32 to index
        %get3A_389 = tpu.vector_load %arg14[%get3A_387, %get3A_388] {strides = array<i32>} : memref<16x768xf32, #tpu.memory_space<vmem>>, vector<1x16xf32>,
        %get3A_390 = vector.shape_cast %get3A_389 : vector<1x16xf32> to vector<16xf32>
        %add3A_391 = arith.addf %get3A_385, %get3A_390 : vector<16xf32>
        %mul3A_392 = arith.mulf %broadcast_in_dim3A_90, %sub3A : vector<16xf32>
        %add3A_393 = arith.addf %get3A_236, %mul3A_392 : vector<16xf32>
        %add3A_394 = arith.addf %add3A_391, %add3A_393 : vector<16xf32>
        %swap3A_395 = arith.constant 7 : i32
        %swap3A_396 = arith.index_cast %swap3A_395 : i32 to index
        %swap3A_397 = arith.index_cast %mul3A_231 : i32 to index
        %swap3A_398 = tpu.vector_load %arg15[%swap3A_396, %swap3A_397] {strides = array<i32>} : memref<16x768xf32, #tpu.memory_space<vmem>>, vector<1x16xf32>,
        %swap3A_399 = vector.shape_cast %swap3A_398 : vector<1x16xf32> to vector<16xf32>
        %swap3A_400 = vector.shape_cast %add3A_394 : vector<16xf32> to vector<1x16xf32>
        tpu.vector_store %arg15[%swap3A_396, %swap3A_397], %swap3A_400 {strides = array<i32>} : memref<16x768xf32, #tpu.memory_space<vmem>>, vector<1x16xf32>,
        %get3A_401 = arith.constant 8 : i32
        %get3A_402 = arith.index_cast %get3A_401 : i32 to index
        %get3A_403 = arith.index_cast %mul3A_231 : i32 to index
        %get3A_404 = tpu.vector_load %arg13[%get3A_402, %get3A_403] {strides = array<i32>} : memref<16x768xf32, #tpu.memory_space<vmem>>, vector<1x16xf32>,
        %get3A_405 = vector.shape_cast %get3A_404 : vector<1x16xf32> to vector<16xf32>
        %get3A_406 = arith.constant 8 : i32
        %get3A_407 = arith.index_cast %get3A_406 : i32 to index
        %get3A_408 = arith.index_cast %mul3A_231 : i32 to index
        %get3A_409 = tpu.vector_load %arg14[%get3A_407, %get3A_408] {strides = array<i32>} : memref<16x768xf32, #tpu.memory_space<vmem>>, vector<1x16xf32>,
        %get3A_410 = vector.shape_cast %get3A_409 : vector<1x16xf32> to vector<16xf32>
        %add3A_411 = arith.addf %get3A_405, %get3A_410 : vector<16xf32>
        %mul3A_412 = arith.mulf %broadcast_in_dim3A_93, %sub3A : vector<16xf32>
        %add3A_413 = arith.addf %get3A_236, %mul3A_412 : vector<16xf32>
        %add3A_414 = arith.addf %add3A_411, %add3A_413 : vector<16xf32>
        %swap3A_415 = arith.constant 8 : i32
        %swap3A_416 = arith.index_cast %swap3A_415 : i32 to index
        %swap3A_417 = arith.index_cast %mul3A_231 : i32 to index
        %swap3A_418 = tpu.vector_load %arg15[%swap3A_416, %swap3A_417] {strides = array<i32>} : memref<16x768xf32, #tpu.memory_space<vmem>>, vector<1x16xf32>,
        %swap3A_419 = vector.shape_cast %swap3A_418 : vector<1x16xf32> to vector<16xf32>
        %swap3A_420 = vector.shape_cast %add3A_414 : vector<16xf32> to vector<1x16xf32>
        tpu.vector_store %arg15[%swap3A_416, %swap3A_417], %swap3A_420 {strides = array<i32>} : memref<16x768xf32, #tpu.memory_space<vmem>>, vector<1x16xf32>,
        %get3A_421 = arith.constant 9 : i32
        %get3A_422 = arith.index_cast %get3A_421 : i32 to index
        %get3A_423 = arith.index_cast %mul3A_231 : i32 to index
        %get3A_424 = tpu.vector_load %arg13[%get3A_422, %get3A_423] {strides = array<i32>} : memref<16x768xf32, #tpu.memory_space<vmem>>, vector<1x16xf32>,
        %get3A_425 = vector.shape_cast %get3A_424 : vector<1x16xf32> to vector<16xf32>
        %get3A_426 = arith.constant 9 : i32
        %get3A_427 = arith.index_cast %get3A_426 : i32 to index
        %get3A_428 = arith.index_cast %mul3A_231 : i32 to index
        %get3A_429 = tpu.vector_load %arg14[%get3A_427, %get3A_428] {strides = array<i32>} : memref<16x768xf32, #tpu.memory_space<vmem>>, vector<1x16xf32>,
        %get3A_430 = vector.shape_cast %get3A_429 : vector<1x16xf32> to vector<16xf32>
        %add3A_431 = arith.addf %get3A_425, %get3A_430 : vector<16xf32>
        %mul3A_432 = arith.mulf %broadcast_in_dim3A_96, %sub3A : vector<16xf32>
        %add3A_433 = arith.addf %get3A_236, %mul3A_432 : vector<16xf32>
        %add3A_434 = arith.addf %add3A_431, %add3A_433 : vector<16xf32>
        %swap3A_435 = arith.constant 9 : i32
        %swap3A_436 = arith.index_cast %swap3A_435 : i32 to index
        %swap3A_437 = arith.index_cast %mul3A_231 : i32 to index
        %swap3A_438 = tpu.vector_load %arg15[%swap3A_436, %swap3A_437] {strides = array<i32>} : memref<16x768xf32, #tpu.memory_space<vmem>>, vector<1x16xf32>,
        %swap3A_439 = vector.shape_cast %swap3A_438 : vector<1x16xf32> to vector<16xf32>
        %swap3A_440 = vector.shape_cast %add3A_434 : vector<16xf32> to vector<1x16xf32>
        tpu.vector_store %arg15[%swap3A_436, %swap3A_437], %swap3A_440 {strides = array<i32>} : memref<16x768xf32, #tpu.memory_space<vmem>>, vector<1x16xf32>,
        %get3A_441 = arith.constant 10 : i32
        %get3A_442 = arith.index_cast %get3A_441 : i32 to index
        %get3A_443 = arith.index_cast %mul3A_231 : i32 to index
        %get3A_444 = tpu.vector_load %arg13[%get3A_442, %get3A_443] {strides = array<i32>} : memref<16x768xf32, #tpu.memory_space<vmem>>, vector<1x16xf32>,
        %get3A_445 = vector.shape_cast %get3A_444 : vector<1x16xf32> to vector<16xf32>
        %get3A_446 = arith.constant 10 : i32
        %get3A_447 = arith.index_cast %get3A_446 : i32 to index
        %get3A_448 = arith.index_cast %mul3A_231 : i32 to index
        %get3A_449 = tpu.vector_load %arg14[%get3A_447, %get3A_448] {strides = array<i32>} : memref<16x768xf32, #tpu.memory_space<vmem>>, vector<1x16xf32>,
        %get3A_450 = vector.shape_cast %get3A_449 : vector<1x16xf32> to vector<16xf32>
        %add3A_451 = arith.addf %get3A_445, %get3A_450 : vector<16xf32>
        %mul3A_452 = arith.mulf %broadcast_in_dim3A_99, %sub3A : vector<16xf32>
        %add3A_453 = arith.addf %get3A_236, %mul3A_452 : vector<16xf32>
        %add3A_454 = arith.addf %add3A_451, %add3A_453 : vector<16xf32>
        %swap3A_455 = arith.constant 10 : i32
        %swap3A_456 = arith.index_cast %swap3A_455 : i32 to index
        %swap3A_457 = arith.index_cast %mul3A_231 : i32 to index
        %swap3A_458 = tpu.vector_load %arg15[%swap3A_456, %swap3A_457] {strides = array<i32>} : memref<16x768xf32, #tpu.memory_space<vmem>>, vector<1x16xf32>,
        %swap3A_459 = vector.shape_cast %swap3A_458 : vector<1x16xf32> to vector<16xf32>
        %swap3A_460 = vector.shape_cast %add3A_454 : vector<16xf32> to vector<1x16xf32>
        tpu.vector_store %arg15[%swap3A_456, %swap3A_457], %swap3A_460 {strides = array<i32>} : memref<16x768xf32, #tpu.memory_space<vmem>>, vector<1x16xf32>,
        %get3A_461 = arith.constant 11 : i32
        %get3A_462 = arith.index_cast %get3A_461 : i32 to index
        %get3A_463 = arith.index_cast %mul3A_231 : i32 to index
        %get3A_464 = tpu.vector_load %arg13[%get3A_462, %get3A_463] {strides = array<i32>} : memref<16x768xf32, #tpu.memory_space<vmem>>, vector<1x16xf32>,
        %get3A_465 = vector.shape_cast %get3A_464 : vector<1x16xf32> to vector<16xf32>
        %get3A_466 = arith.constant 11 : i32
        %get3A_467 = arith.index_cast %get3A_466 : i32 to index
        %get3A_468 = arith.index_cast %mul3A_231 : i32 to index
        %get3A_469 = tpu.vector_load %arg14[%get3A_467, %get3A_468] {strides = array<i32>} : memref<16x768xf32, #tpu.memory_space<vmem>>, vector<1x16xf32>,
        %get3A_470 = vector.shape_cast %get3A_469 : vector<1x16xf32> to vector<16xf32>
        %add3A_471 = arith.addf %get3A_465, %get3A_470 : vector<16xf32>
        %mul3A_472 = arith.mulf %broadcast_in_dim3A_102, %sub3A : vector<16xf32>
        %add3A_473 = arith.addf %get3A_236, %mul3A_472 : vector<16xf32>
        %add3A_474 = arith.addf %add3A_471, %add3A_473 : vector<16xf32>
        %swap3A_475 = arith.constant 11 : i32
        %swap3A_476 = arith.index_cast %swap3A_475 : i32 to index
        %swap3A_477 = arith.index_cast %mul3A_231 : i32 to index
        %swap3A_478 = tpu.vector_load %arg15[%swap3A_476, %swap3A_477] {strides = array<i32>} : memref<16x768xf32, #tpu.memory_space<vmem>>, vector<1x16xf32>,
        %swap3A_479 = vector.shape_cast %swap3A_478 : vector<1x16xf32> to vector<16xf32>
        %swap3A_480 = vector.shape_cast %add3A_474 : vector<16xf32> to vector<1x16xf32>
        tpu.vector_store %arg15[%swap3A_476, %swap3A_477], %swap3A_480 {strides = array<i32>} : memref<16x768xf32, #tpu.memory_space<vmem>>, vector<1x16xf32>,
        %get3A_481 = arith.constant 12 : i32
        %get3A_482 = arith.index_cast %get3A_481 : i32 to index
        %get3A_483 = arith.index_cast %mul3A_231 : i32 to index
        %get3A_484 = tpu.vector_load %arg13[%get3A_482, %get3A_483] {strides = array<i32>} : memref<16x768xf32, #tpu.memory_space<vmem>>, vector<1x16xf32>,
        %get3A_485 = vector.shape_cast %get3A_484 : vector<1x16xf32> to vector<16xf32>
        %get3A_486 = arith.constant 12 : i32
        %get3A_487 = arith.index_cast %get3A_486 : i32 to index
        %get3A_488 = arith.index_cast %mul3A_231 : i32 to index
        %get3A_489 = tpu.vector_load %arg14[%get3A_487, %get3A_488] {strides = array<i32>} : memref<16x768xf32, #tpu.memory_space<vmem>>, vector<1x16xf32>,
        %get3A_490 = vector.shape_cast %get3A_489 : vector<1x16xf32> to vector<16xf32>
        %add3A_491 = arith.addf %get3A_485, %get3A_490 : vector<16xf32>
        %mul3A_492 = arith.mulf %broadcast_in_dim3A_105, %sub3A : vector<16xf32>
        %add3A_493 = arith.addf %get3A_236, %mul3A_492 : vector<16xf32>
        %add3A_494 = arith.addf %add3A_491, %add3A_493 : vector<16xf32>
        %swap3A_495 = arith.constant 12 : i32
        %swap3A_496 = arith.index_cast %swap3A_495 : i32 to index
        %swap3A_497 = arith.index_cast %mul3A_231 : i32 to index
        %swap3A_498 = tpu.vector_load %arg15[%swap3A_496, %swap3A_497] {strides = array<i32>} : memref<16x768xf32, #tpu.memory_space<vmem>>, vector<1x16xf32>,
        %swap3A_499 = vector.shape_cast %swap3A_498 : vector<1x16xf32> to vector<16xf32>
        %swap3A_500 = vector.shape_cast %add3A_494 : vector<16xf32> to vector<1x16xf32>
        tpu.vector_store %arg15[%swap3A_496, %swap3A_497], %swap3A_500 {strides = array<i32>} : memref<16x768xf32, #tpu.memory_space<vmem>>, vector<1x16xf32>,
        %get3A_501 = arith.constant 13 : i32
        %get3A_502 = arith.index_cast %get3A_501 : i32 to index
        %get3A_503 = arith.index_cast %mul3A_231 : i32 to index
        %get3A_504 = tpu.vector_load %arg13[%get3A_502, %get3A_503] {strides = array<i32>} : memref<16x768xf32, #tpu.memory_space<vmem>>, vector<1x16xf32>,
        %get3A_505 = vector.shape_cast %get3A_504 : vector<1x16xf32> to vector<16xf32>
        %get3A_506 = arith.constant 13 : i32
        %get3A_507 = arith.index_cast %get3A_506 : i32 to index
        %get3A_508 = arith.index_cast %mul3A_231 : i32 to index
        %get3A_509 = tpu.vector_load %arg14[%get3A_507, %get3A_508] {strides = array<i32>} : memref<16x768xf32, #tpu.memory_space<vmem>>, vector<1x16xf32>,
        %get3A_510 = vector.shape_cast %get3A_509 : vector<1x16xf32> to vector<16xf32>
        %add3A_511 = arith.addf %get3A_505, %get3A_510 : vector<16xf32>
        %mul3A_512 = arith.mulf %broadcast_in_dim3A_108, %sub3A : vector<16xf32>
        %add3A_513 = arith.addf %get3A_236, %mul3A_512 : vector<16xf32>
        %add3A_514 = arith.addf %add3A_511, %add3A_513 : vector<16xf32>
        %swap3A_515 = arith.constant 13 : i32
        %swap3A_516 = arith.index_cast %swap3A_515 : i32 to index
        %swap3A_517 = arith.index_cast %mul3A_231 : i32 to index
        %swap3A_518 = tpu.vector_load %arg15[%swap3A_516, %swap3A_517] {strides = array<i32>} : memref<16x768xf32, #tpu.memory_space<vmem>>, vector<1x16xf32>,
        %swap3A_519 = vector.shape_cast %swap3A_518 : vector<1x16xf32> to vector<16xf32>
        %swap3A_520 = vector.shape_cast %add3A_514 : vector<16xf32> to vector<1x16xf32>
        tpu.vector_store %arg15[%swap3A_516, %swap3A_517], %swap3A_520 {strides = array<i32>} : memref<16x768xf32, #tpu.memory_space<vmem>>, vector<1x16xf32>,
        %get3A_521 = arith.constant 14 : i32
        %get3A_522 = arith.index_cast %get3A_521 : i32 to index
        %get3A_523 = arith.index_cast %mul3A_231 : i32 to index
        %get3A_524 = tpu.vector_load %arg13[%get3A_522, %get3A_523] {strides = array<i32>} : memref<16x768xf32, #tpu.memory_space<vmem>>, vector<1x16xf32>,
        %get3A_525 = vector.shape_cast %get3A_524 : vector<1x16xf32> to vector<16xf32>
        %get3A_526 = arith.constant 14 : i32
        %get3A_527 = arith.index_cast %get3A_526 : i32 to index
        %get3A_528 = arith.index_cast %mul3A_231 : i32 to index
        %get3A_529 = tpu.vector_load %arg14[%get3A_527, %get3A_528] {strides = array<i32>} : memref<16x768xf32, #tpu.memory_space<vmem>>, vector<1x16xf32>,
        %get3A_530 = vector.shape_cast %get3A_529 : vector<1x16xf32> to vector<16xf32>
        %add3A_531 = arith.addf %get3A_525, %get3A_530 : vector<16xf32>
        %mul3A_532 = arith.mulf %broadcast_in_dim3A_111, %sub3A : vector<16xf32>
        %add3A_533 = arith.addf %get3A_236, %mul3A_532 : vector<16xf32>
        %add3A_534 = arith.addf %add3A_531, %add3A_533 : vector<16xf32>
        %swap3A_535 = arith.constant 14 : i32
        %swap3A_536 = arith.index_cast %swap3A_535 : i32 to index
        %swap3A_537 = arith.index_cast %mul3A_231 : i32 to index
        %swap3A_538 = tpu.vector_load %arg15[%swap3A_536, %swap3A_537] {strides = array<i32>} : memref<16x768xf32, #tpu.memory_space<vmem>>, vector<1x16xf32>,
        %swap3A_539 = vector.shape_cast %swap3A_538 : vector<1x16xf32> to vector<16xf32>
        %swap3A_540 = vector.shape_cast %add3A_534 : vector<16xf32> to vector<1x16xf32>
        tpu.vector_store %arg15[%swap3A_536, %swap3A_537], %swap3A_540 {strides = array<i32>} : memref<16x768xf32, #tpu.memory_space<vmem>>, vector<1x16xf32>,
        %get3A_541 = arith.constant 15 : i32
        %get3A_542 = arith.index_cast %get3A_541 : i32 to index
        %get3A_543 = arith.index_cast %mul3A_231 : i32 to index
        %get3A_544 = tpu.vector_load %arg13[%get3A_542, %get3A_543] {strides = array<i32>} : memref<16x768xf32, #tpu.memory_space<vmem>>, vector<1x16xf32>,
        %get3A_545 = vector.shape_cast %get3A_544 : vector<1x16xf32> to vector<16xf32>
        %get3A_546 = arith.constant 15 : i32
        %get3A_547 = arith.index_cast %get3A_546 : i32 to index
        %get3A_548 = arith.index_cast %mul3A_231 : i32 to index
        %get3A_549 = tpu.vector_load %arg14[%get3A_547, %get3A_548] {strides = array<i32>} : memref<16x768xf32, #tpu.memory_space<vmem>>, vector<1x16xf32>,
        %get3A_550 = vector.shape_cast %get3A_549 : vector<1x16xf32> to vector<16xf32>
        %add3A_551 = arith.addf %get3A_545, %get3A_550 : vector<16xf32>
        %mul3A_552 = arith.mulf %broadcast_in_dim3A_114, %sub3A : vector<16xf32>
        %add3A_553 = arith.addf %get3A_236, %mul3A_552 : vector<16xf32>
        %add3A_554 = arith.addf %add3A_551, %add3A_553 : vector<16xf32>
        %swap3A_555 = arith.constant 15 : i32
        %swap3A_556 = arith.index_cast %swap3A_555 : i32 to index
        %swap3A_557 = arith.index_cast %mul3A_231 : i32 to index
        %swap3A_558 = tpu.vector_load %arg15[%swap3A_556, %swap3A_557] {strides = array<i32>} : memref<16x768xf32, #tpu.memory_space<vmem>>, vector<1x16xf32>,
        %swap3A_559 = vector.shape_cast %swap3A_558 : vector<1x16xf32> to vector<16xf32>
        %swap3A_560 = vector.shape_cast %add3A_554 : vector<16xf32> to vector<1x16xf32>
        tpu.vector_store %arg15[%swap3A_556, %swap3A_557], %swap3A_560 {strides = array<i32>} : memref<16x768xf32, #tpu.memory_space<vmem>>, vector<1x16xf32>,
      }
      %scan3A_120 = arith.constant 48 : i32
      %mul3A_121 = arith.constant 16 : i32
      %mul3A_122 = arith.muli %add3A_50, %mul3A_121 : i32
      %add3A_123 = arith.addi %mul3A_2, %mul3A_122 : i32
      %dma_start3A_124 = arith.constant 0 : i32
      %dma_start3A_125 = tpu.memref_slice %arg8[%add3A_123, %dma_start3A_124] : memref<8192x768xf32, #tpu.memory_space<hbm>> -> memref<16x768xf32, #tpu.memory_space<hbm>>
      %dma_start3A_126 = arith.constant 0 : i32
      %dma_start3A_127 = tpu.memref_slice %arg8[%add3A_123, %dma_start3A_126] : memref<8192x768xf32, #tpu.memory_space<hbm>> -> memref<16x768xf32, #tpu.memory_space<hbm>>
      tpu.enqueue_dma source(%arg15 : memref<16x768xf32, #tpu.memory_space<vmem>>) target(%dma_start3A_127 : memref<16x768xf32, #tpu.memory_space<hbm>>) target_semaphore(%arg21 : memref<!tpu.dma_semaphore, #tpu.memory_space<semaphore_mem>>)
      %add3A_128 = arith.constant 2 : i32
      %add3A_129 = arith.addi %add3A_50, %add3A_128 : i32
      %lt3A = arith.constant 16 : i32
      %lt3A_130 = arith.cmpi slt, %add3A_129, %lt3A : i32
      %convert_element_type3A_131 = arith.extui %lt3A_130 : i1 to i32
      %cond3A_132 = arith.constant 0 : i32
      %cond3A_133 = arith.cmpi ne, %convert_element_type3A_131, %cond3A_132 : i32
      scf.if %cond3A_133 {
        %add3A_229 = arith.constant 2 : i32
        %add3A_230 = arith.addi %add3A_50, %add3A_229 : i32
        %dma_start3A_231 = arith.constant 0 : i32
        %dma_start3A_232 = tpu.memref_slice %arg9[%add3A_230, %dma_start3A_231] : memref<16x16xi32, #tpu.memory_space<vmem>> -> memref<1x16xi32, #tpu.memory_space<vmem>>
        %dma_start3A_233 = tpu.memref_squeeze %dma_start3A_232 : memref<1x16xi32, #tpu.memory_space<vmem>> -> memref<16xi32, #tpu.memory_space<vmem>>
        %dma_start3A_234 = arith.constant 0 : i32
        %dma_start3A_235 = arith.constant 0 : i32
        %dma_start3A_236 = tpu.memref_slice %arg5[%dma_start3A_234, %dma_start3A_235] : memref<100000x768xf32, #tpu.memory_space<hbm>> -> memref<100000x768xf32, #tpu.memory_space<hbm>>
        tpu.enqueue_indirect_dma source(%dma_start3A_236 : memref<100000x768xf32, #tpu.memory_space<hbm>>) target(%arg13 : memref<16x768xf32, #tpu.memory_space<vmem>>) offsets(%dma_start3A_233 : memref<16xi32, #tpu.memory_space<vmem>>) semaphore(%arg19 : memref<!tpu.dma_semaphore, #tpu.memory_space<semaphore_mem>>)
        %dma_start3A_237 = arith.constant 0 : i32
        %dma_start3A_238 = tpu.memref_slice %arg10[%add3A_230, %dma_start3A_237] : memref<16x16xi32, #tpu.memory_space<vmem>> -> memref<1x16xi32, #tpu.memory_space<vmem>>
        %dma_start3A_239 = tpu.memref_squeeze %dma_start3A_238 : memref<1x16xi32, #tpu.memory_space<vmem>> -> memref<16xi32, #tpu.memory_space<vmem>>
        %dma_start3A_240 = arith.constant 0 : i32
        %dma_start3A_241 = arith.constant 0 : i32
        %dma_start3A_242 = tpu.memref_slice %arg6[%dma_start3A_240, %dma_start3A_241] : memref<2048x768xf32, #tpu.memory_space<hbm>> -> memref<2048x768xf32, #tpu.memory_space<hbm>>
        tpu.enqueue_indirect_dma source(%dma_start3A_242 : memref<2048x768xf32, #tpu.memory_space<hbm>>) target(%arg14 : memref<16x768xf32, #tpu.memory_space<vmem>>) offsets(%dma_start3A_239 : memref<16xi32, #tpu.memory_space<vmem>>) semaphore(%arg19 : memref<!tpu.dma_semaphore, #tpu.memory_space<semaphore_mem>>)
      } else {
      }
      %mul3A_134 = arith.constant 2 : i32
      %mul3A_135 = arith.muli %scan3A_46, %mul3A_134 : i32
      %add3A_136 = arith.constant 1 : i32
      %add3A_137 = arith.addi %mul3A_135, %add3A_136 : i32
      %dma_wait3A_138 = arith.constant 0 : i32
      %dma_wait3A_139 = tpu.memref_slice %arg9[%add3A_137, %dma_wait3A_138] : memref<16x16xi32, #tpu.memory_space<vmem>> -> memref<1x16xi32, #tpu.memory_space<vmem>>
      %dma_wait3A_140 = tpu.memref_squeeze %dma_wait3A_139 : memref<1x16xi32, #tpu.memory_space<vmem>> -> memref<16xi32, #tpu.memory_space<vmem>>
      %dma_wait3A_141 = arith.constant 0 : i32
      %dma_wait3A_142 = arith.constant 0 : i32
      %dma_wait3A_143 = tpu.memref_slice %arg5[%dma_wait3A_141, %dma_wait3A_142] : memref<100000x768xf32, #tpu.memory_space<hbm>> -> memref<100000x768xf32, #tpu.memory_space<hbm>>
      tpu.wait_indirect_dma semaphore(%arg20 : memref<!tpu.dma_semaphore, #tpu.memory_space<semaphore_mem>>) src(%dma_wait3A_143 : memref<100000x768xf32, #tpu.memory_space<hbm>>) dst(%arg16 : memref<16x768xf32, #tpu.memory_space<vmem>>)
      %dma_wait3A_144 = arith.constant 0 : i32
      %dma_wait3A_145 = tpu.memref_slice %arg10[%add3A_137, %dma_wait3A_144] : memref<16x16xi32, #tpu.memory_space<vmem>> -> memref<1x16xi32, #tpu.memory_space<vmem>>
      %dma_wait3A_146 = tpu.memref_squeeze %dma_wait3A_145 : memref<1x16xi32, #tpu.memory_space<vmem>> -> memref<16xi32, #tpu.memory_space<vmem>>
      %dma_wait3A_147 = arith.constant 0 : i32
      %dma_wait3A_148 = arith.constant 0 : i32
      %dma_wait3A_149 = tpu.memref_slice %arg6[%dma_wait3A_147, %dma_wait3A_148] : memref<2048x768xf32, #tpu.memory_space<hbm>> -> memref<2048x768xf32, #tpu.memory_space<hbm>>
      tpu.wait_indirect_dma semaphore(%arg20 : memref<!tpu.dma_semaphore, #tpu.memory_space<semaphore_mem>>) src(%dma_wait3A_149 : memref<2048x768xf32, #tpu.memory_space<hbm>>) dst(%arg17 : memref<16x768xf32, #tpu.memory_space<vmem>>)
      %ge3A_150 = arith.constant 1 : i32
      %ge3A_151 = arith.cmpi sge, %scan3A_46, %ge3A_150 : i32
      %convert_element_type3A_152 = arith.extui %ge3A_151 : i1 to i32
      %cond3A_153 = arith.constant 0 : i32
      %cond3A_154 = arith.cmpi ne, %convert_element_type3A_152, %cond3A_153 : i32
      scf.if %cond3A_154 {
        %sub3A = arith.constant 2 : i32
        %sub3A_229 = arith.subi %add3A_137, %sub3A : i32
        %mul3A_230 = arith.constant 16 : i32
        %mul3A_231 = arith.muli %sub3A_229, %mul3A_230 : i32
        %add3A_232 = arith.addi %mul3A_2, %mul3A_231 : i32
        %dma_wait3A_233 = arith.constant 0 : i32
        %dma_wait3A_234 = tpu.memref_slice %arg8[%add3A_232, %dma_wait3A_233] : memref<8192x768xf32, #tpu.memory_space<hbm>> -> memref<16x768xf32, #tpu.memory_space<hbm>>
        %dma_wait3A_235 = arith.constant 0 : i32
        %dma_wait3A_236 = tpu.memref_slice %arg8[%add3A_232, %dma_wait3A_235] : memref<8192x768xf32, #tpu.memory_space<hbm>> -> memref<16x768xf32, #tpu.memory_space<hbm>>
        tpu.wait_dma2 semaphore(%arg22 : memref<!tpu.dma_semaphore, #tpu.memory_space<semaphore_mem>>) src(%arg18 : memref<16x768xf32, #tpu.memory_space<vmem>>) dst(%dma_wait3A_236 : memref<16x768xf32, #tpu.memory_space<hbm>>)
      } else {
      }
      %mul3A_155 = arith.constant 16 : i32
      %mul3A_156 = arith.muli %add3A_137, %mul3A_155 : i32
      %get3A_157 = arith.index_cast %mul3A_156 : i32 to index
      %get3A_158 = tpu.vector_load %arg11[%get3A_157] {strides = array<i32>} : memref<272xi32, #tpu.memory_space<vmem>>, vector<16xi32>,
      %get3A_159 = vector.shape_cast %get3A_158 : vector<16xi32> to vector<16xi32>
      %convert_element_type3A_160 = arith.sitofp %get3A_159 : vector<16xi32> to vector<16xf32>
      %slice3A_161 = vector.extract_strided_slice %convert_element_type3A_160 {offsets = [0], sizes = [1], strides = [1]} : vector<16xf32> to vector<1xf32>
      %squeeze3A_162 = vector.extract %slice3A_161[0] : f32 from vector<1xf32>
      %broadcast_in_dim3A_163 = vector.broadcast %squeeze3A_162 : f32 to vector<16xf32>
      %slice3A_164 = vector.extract_strided_slice %convert_element_type3A_160 {offsets = [1], sizes = [1], strides = [1]} : vector<16xf32> to vector<1xf32>
      %squeeze3A_165 = vector.extract %slice3A_164[0] : f32 from vector<1xf32>
      %broadcast_in_dim3A_166 = vector.broadcast %squeeze3A_165 : f32 to vector<16xf32>
      %slice3A_167 = vector.extract_strided_slice %convert_element_type3A_160 {offsets = [2], sizes = [1], strides = [1]} : vector<16xf32> to vector<1xf32>
      %squeeze3A_168 = vector.extract %slice3A_167[0] : f32 from vector<1xf32>
      %broadcast_in_dim3A_169 = vector.broadcast %squeeze3A_168 : f32 to vector<16xf32>
      %slice3A_170 = vector.extract_strided_slice %convert_element_type3A_160 {offsets = [3], sizes = [1], strides = [1]} : vector<16xf32> to vector<1xf32>
      %squeeze3A_171 = vector.extract %slice3A_170[0] : f32 from vector<1xf32>
      %broadcast_in_dim3A_172 = vector.broadcast %squeeze3A_171 : f32 to vector<16xf32>
      %slice3A_173 = vector.extract_strided_slice %convert_element_type3A_160 {offsets = [4], sizes = [1], strides = [1]} : vector<16xf32> to vector<1xf32>
      %squeeze3A_174 = vector.extract %slice3A_173[0] : f32 from vector<1xf32>
      %broadcast_in_dim3A_175 = vector.broadcast %squeeze3A_174 : f32 to vector<16xf32>
      %slice3A_176 = vector.extract_strided_slice %convert_element_type3A_160 {offsets = [5], sizes = [1], strides = [1]} : vector<16xf32> to vector<1xf32>
      %squeeze3A_177 = vector.extract %slice3A_176[0] : f32 from vector<1xf32>
      %broadcast_in_dim3A_178 = vector.broadcast %squeeze3A_177 : f32 to vector<16xf32>
      %slice3A_179 = vector.extract_strided_slice %convert_element_type3A_160 {offsets = [6], sizes = [1], strides = [1]} : vector<16xf32> to vector<1xf32>
      %squeeze3A_180 = vector.extract %slice3A_179[0] : f32 from vector<1xf32>
      %broadcast_in_dim3A_181 = vector.broadcast %squeeze3A_180 : f32 to vector<16xf32>
      %slice3A_182 = vector.extract_strided_slice %convert_element_type3A_160 {offsets = [7], sizes = [1], strides = [1]} : vector<16xf32> to vector<1xf32>
      %squeeze3A_183 = vector.extract %slice3A_182[0] : f32 from vector<1xf32>
      %broadcast_in_dim3A_184 = vector.broadcast %squeeze3A_183 : f32 to vector<16xf32>
      %slice3A_185 = vector.extract_strided_slice %convert_element_type3A_160 {offsets = [8], sizes = [1], strides = [1]} : vector<16xf32> to vector<1xf32>
      %squeeze3A_186 = vector.extract %slice3A_185[0] : f32 from vector<1xf32>
      %broadcast_in_dim3A_187 = vector.broadcast %squeeze3A_186 : f32 to vector<16xf32>
      %slice3A_188 = vector.extract_strided_slice %convert_element_type3A_160 {offsets = [9], sizes = [1], strides = [1]} : vector<16xf32> to vector<1xf32>
      %squeeze3A_189 = vector.extract %slice3A_188[0] : f32 from vector<1xf32>
      %broadcast_in_dim3A_190 = vector.broadcast %squeeze3A_189 : f32 to vector<16xf32>
      %slice3A_191 = vector.extract_strided_slice %convert_element_type3A_160 {offsets = [10], sizes = [1], strides = [1]} : vector<16xf32> to vector<1xf32>
      %squeeze3A_192 = vector.extract %slice3A_191[0] : f32 from vector<1xf32>
      %broadcast_in_dim3A_193 = vector.broadcast %squeeze3A_192 : f32 to vector<16xf32>
      %slice3A_194 = vector.extract_strided_slice %convert_element_type3A_160 {offsets = [11], sizes = [1], strides = [1]} : vector<16xf32> to vector<1xf32>
      %squeeze3A_195 = vector.extract %slice3A_194[0] : f32 from vector<1xf32>
      %broadcast_in_dim3A_196 = vector.broadcast %squeeze3A_195 : f32 to vector<16xf32>
      %slice3A_197 = vector.extract_strided_slice %convert_element_type3A_160 {offsets = [12], sizes = [1], strides = [1]} : vector<16xf32> to vector<1xf32>
      %squeeze3A_198 = vector.extract %slice3A_197[0] : f32 from vector<1xf32>
      %broadcast_in_dim3A_199 = vector.broadcast %squeeze3A_198 : f32 to vector<16xf32>
      %slice3A_200 = vector.extract_strided_slice %convert_element_type3A_160 {offsets = [13], sizes = [1], strides = [1]} : vector<16xf32> to vector<1xf32>
      %squeeze3A_201 = vector.extract %slice3A_200[0] : f32 from vector<1xf32>
      %broadcast_in_dim3A_202 = vector.broadcast %squeeze3A_201 : f32 to vector<16xf32>
      %slice3A_203 = vector.extract_strided_slice %convert_element_type3A_160 {offsets = [14], sizes = [1], strides = [1]} : vector<16xf32> to vector<1xf32>
      %squeeze3A_204 = vector.extract %slice3A_203[0] : f32 from vector<1xf32>
      %broadcast_in_dim3A_205 = vector.broadcast %squeeze3A_204 : f32 to vector<16xf32>
      %slice3A_206 = vector.extract_strided_slice %convert_element_type3A_160 {offsets = [15], sizes = [1], strides = [1]} : vector<16xf32> to vector<1xf32>
      %squeeze3A_207 = vector.extract %slice3A_206[0] : f32 from vector<1xf32>
      %broadcast_in_dim3A_208 = vector.broadcast %squeeze3A_207 : f32 to vector<16xf32>
      %scan3A_209 = arith.constant 0 : i32
      %scan3A_210 = arith.constant 0 : i32
      %scan3A_211 = arith.constant 48 : i32
      %scan3A_212 = arith.addi %scan3A_210, %scan3A_211 : i32
      %scan3A_213 = arith.constant 1 : i32
      scf.for %scan3A_229 = %scan3A_210 to %scan3A_212 step %scan3A_213  : i32 {
        %mul3A_230 = arith.constant 16 : i32
        %mul3A_231 = arith.muli %scan3A_229, %mul3A_230 : i32
        %get3A_232 = arith.constant 0 : i32
        %get3A_233 = arith.index_cast %get3A_232 : i32 to index
        %get3A_234 = arith.index_cast %mul3A_231 : i32 to index
        %get3A_235 = tpu.vector_load %arg12[%get3A_233, %get3A_234] {strides = array<i32>} : memref<2x768xf32, #tpu.memory_space<vmem>>, vector<1x16xf32>,
        %get3A_236 = vector.shape_cast %get3A_235 : vector<1x16xf32> to vector<16xf32>
        %get3A_237 = arith.constant 1 : i32
        %get3A_238 = arith.index_cast %get3A_237 : i32 to index
        %get3A_239 = arith.index_cast %mul3A_231 : i32 to index
        %get3A_240 = tpu.vector_load %arg12[%get3A_238, %get3A_239] {strides = array<i32>} : memref<2x768xf32, #tpu.memory_space<vmem>>, vector<1x16xf32>,
        %get3A_241 = vector.shape_cast %get3A_240 : vector<1x16xf32> to vector<16xf32>
        %sub3A = arith.subf %get3A_241, %get3A_236 : vector<16xf32>
        %get3A_242 = arith.constant 0 : i32
        %get3A_243 = arith.index_cast %get3A_242 : i32 to index
        %get3A_244 = arith.index_cast %mul3A_231 : i32 to index
        %get3A_245 = tpu.vector_load %arg16[%get3A_243, %get3A_244] {strides = array<i32>} : memref<16x768xf32, #tpu.memory_space<vmem>>, vector<1x16xf32>,
        %get3A_246 = vector.shape_cast %get3A_245 : vector<1x16xf32> to vector<16xf32>
        %get3A_247 = arith.constant 0 : i32
        %get3A_248 = arith.index_cast %get3A_247 : i32 to index
        %get3A_249 = arith.index_cast %mul3A_231 : i32 to index
        %get3A_250 = tpu.vector_load %arg17[%get3A_248, %get3A_249] {strides = array<i32>} : memref<16x768xf32, #tpu.memory_space<vmem>>, vector<1x16xf32>,
        %get3A_251 = vector.shape_cast %get3A_250 : vector<1x16xf32> to vector<16xf32>
        %add3A_252 = arith.addf %get3A_246, %get3A_251 : vector<16xf32>
        %mul3A_253 = arith.mulf %broadcast_in_dim3A_163, %sub3A : vector<16xf32>
        %add3A_254 = arith.addf %get3A_236, %mul3A_253 : vector<16xf32>
        %add3A_255 = arith.addf %add3A_252, %add3A_254 : vector<16xf32>
        %swap3A = arith.constant 0 : i32
        %swap3A_256 = arith.index_cast %swap3A : i32 to index
        %swap3A_257 = arith.index_cast %mul3A_231 : i32 to index
        %swap3A_258 = tpu.vector_load %arg18[%swap3A_256, %swap3A_257] {strides = array<i32>} : memref<16x768xf32, #tpu.memory_space<vmem>>, vector<1x16xf32>,
        %swap3A_259 = vector.shape_cast %swap3A_258 : vector<1x16xf32> to vector<16xf32>
        %swap3A_260 = vector.shape_cast %add3A_255 : vector<16xf32> to vector<1x16xf32>
        tpu.vector_store %arg18[%swap3A_256, %swap3A_257], %swap3A_260 {strides = array<i32>} : memref<16x768xf32, #tpu.memory_space<vmem>>, vector<1x16xf32>,
        %get3A_261 = arith.constant 1 : i32
        %get3A_262 = arith.index_cast %get3A_261 : i32 to index
        %get3A_263 = arith.index_cast %mul3A_231 : i32 to index
        %get3A_264 = tpu.vector_load %arg16[%get3A_262, %get3A_263] {strides = array<i32>} : memref<16x768xf32, #tpu.memory_space<vmem>>, vector<1x16xf32>,
        %get3A_265 = vector.shape_cast %get3A_264 : vector<1x16xf32> to vector<16xf32>
        %get3A_266 = arith.constant 1 : i32
        %get3A_267 = arith.index_cast %get3A_266 : i32 to index
        %get3A_268 = arith.index_cast %mul3A_231 : i32 to index
        %get3A_269 = tpu.vector_load %arg17[%get3A_267, %get3A_268] {strides = array<i32>} : memref<16x768xf32, #tpu.memory_space<vmem>>, vector<1x16xf32>,
        %get3A_270 = vector.shape_cast %get3A_269 : vector<1x16xf32> to vector<16xf32>
        %add3A_271 = arith.addf %get3A_265, %get3A_270 : vector<16xf32>
        %mul3A_272 = arith.mulf %broadcast_in_dim3A_166, %sub3A : vector<16xf32>
        %add3A_273 = arith.addf %get3A_236, %mul3A_272 : vector<16xf32>
        %add3A_274 = arith.addf %add3A_271, %add3A_273 : vector<16xf32>
        %swap3A_275 = arith.constant 1 : i32
        %swap3A_276 = arith.index_cast %swap3A_275 : i32 to index
        %swap3A_277 = arith.index_cast %mul3A_231 : i32 to index
        %swap3A_278 = tpu.vector_load %arg18[%swap3A_276, %swap3A_277] {strides = array<i32>} : memref<16x768xf32, #tpu.memory_space<vmem>>, vector<1x16xf32>,
        %swap3A_279 = vector.shape_cast %swap3A_278 : vector<1x16xf32> to vector<16xf32>
        %swap3A_280 = vector.shape_cast %add3A_274 : vector<16xf32> to vector<1x16xf32>
        tpu.vector_store %arg18[%swap3A_276, %swap3A_277], %swap3A_280 {strides = array<i32>} : memref<16x768xf32, #tpu.memory_space<vmem>>, vector<1x16xf32>,
        %get3A_281 = arith.constant 2 : i32
        %get3A_282 = arith.index_cast %get3A_281 : i32 to index
        %get3A_283 = arith.index_cast %mul3A_231 : i32 to index
        %get3A_284 = tpu.vector_load %arg16[%get3A_282, %get3A_283] {strides = array<i32>} : memref<16x768xf32, #tpu.memory_space<vmem>>, vector<1x16xf32>,
        %get3A_285 = vector.shape_cast %get3A_284 : vector<1x16xf32> to vector<16xf32>
        %get3A_286 = arith.constant 2 : i32
        %get3A_287 = arith.index_cast %get3A_286 : i32 to index
        %get3A_288 = arith.index_cast %mul3A_231 : i32 to index
        %get3A_289 = tpu.vector_load %arg17[%get3A_287, %get3A_288] {strides = array<i32>} : memref<16x768xf32, #tpu.memory_space<vmem>>, vector<1x16xf32>,
        %get3A_290 = vector.shape_cast %get3A_289 : vector<1x16xf32> to vector<16xf32>
        %add3A_291 = arith.addf %get3A_285, %get3A_290 : vector<16xf32>
        %mul3A_292 = arith.mulf %broadcast_in_dim3A_169, %sub3A : vector<16xf32>
        %add3A_293 = arith.addf %get3A_236, %mul3A_292 : vector<16xf32>
        %add3A_294 = arith.addf %add3A_291, %add3A_293 : vector<16xf32>
        %swap3A_295 = arith.constant 2 : i32
        %swap3A_296 = arith.index_cast %swap3A_295 : i32 to index
        %swap3A_297 = arith.index_cast %mul3A_231 : i32 to index
        %swap3A_298 = tpu.vector_load %arg18[%swap3A_296, %swap3A_297] {strides = array<i32>} : memref<16x768xf32, #tpu.memory_space<vmem>>, vector<1x16xf32>,
        %swap3A_299 = vector.shape_cast %swap3A_298 : vector<1x16xf32> to vector<16xf32>
        %swap3A_300 = vector.shape_cast %add3A_294 : vector<16xf32> to vector<1x16xf32>
        tpu.vector_store %arg18[%swap3A_296, %swap3A_297], %swap3A_300 {strides = array<i32>} : memref<16x768xf32, #tpu.memory_space<vmem>>, vector<1x16xf32>,
        %get3A_301 = arith.constant 3 : i32
        %get3A_302 = arith.index_cast %get3A_301 : i32 to index
        %get3A_303 = arith.index_cast %mul3A_231 : i32 to index
        %get3A_304 = tpu.vector_load %arg16[%get3A_302, %get3A_303] {strides = array<i32>} : memref<16x768xf32, #tpu.memory_space<vmem>>, vector<1x16xf32>,
        %get3A_305 = vector.shape_cast %get3A_304 : vector<1x16xf32> to vector<16xf32>
        %get3A_306 = arith.constant 3 : i32
        %get3A_307 = arith.index_cast %get3A_306 : i32 to index
        %get3A_308 = arith.index_cast %mul3A_231 : i32 to index
        %get3A_309 = tpu.vector_load %arg17[%get3A_307, %get3A_308] {strides = array<i32>} : memref<16x768xf32, #tpu.memory_space<vmem>>, vector<1x16xf32>,
        %get3A_310 = vector.shape_cast %get3A_309 : vector<1x16xf32> to vector<16xf32>
        %add3A_311 = arith.addf %get3A_305, %get3A_310 : vector<16xf32>
        %mul3A_312 = arith.mulf %broadcast_in_dim3A_172, %sub3A : vector<16xf32>
        %add3A_313 = arith.addf %get3A_236, %mul3A_312 : vector<16xf32>
        %add3A_314 = arith.addf %add3A_311, %add3A_313 : vector<16xf32>
        %swap3A_315 = arith.constant 3 : i32
        %swap3A_316 = arith.index_cast %swap3A_315 : i32 to index
        %swap3A_317 = arith.index_cast %mul3A_231 : i32 to index
        %swap3A_318 = tpu.vector_load %arg18[%swap3A_316, %swap3A_317] {strides = array<i32>} : memref<16x768xf32, #tpu.memory_space<vmem>>, vector<1x16xf32>,
        %swap3A_319 = vector.shape_cast %swap3A_318 : vector<1x16xf32> to vector<16xf32>
        %swap3A_320 = vector.shape_cast %add3A_314 : vector<16xf32> to vector<1x16xf32>
        tpu.vector_store %arg18[%swap3A_316, %swap3A_317], %swap3A_320 {strides = array<i32>} : memref<16x768xf32, #tpu.memory_space<vmem>>, vector<1x16xf32>,
        %get3A_321 = arith.constant 4 : i32
        %get3A_322 = arith.index_cast %get3A_321 : i32 to index
        %get3A_323 = arith.index_cast %mul3A_231 : i32 to index
        %get3A_324 = tpu.vector_load %arg16[%get3A_322, %get3A_323] {strides = array<i32>} : memref<16x768xf32, #tpu.memory_space<vmem>>, vector<1x16xf32>,
        %get3A_325 = vector.shape_cast %get3A_324 : vector<1x16xf32> to vector<16xf32>
        %get3A_326 = arith.constant 4 : i32
        %get3A_327 = arith.index_cast %get3A_326 : i32 to index
        %get3A_328 = arith.index_cast %mul3A_231 : i32 to index
        %get3A_329 = tpu.vector_load %arg17[%get3A_327, %get3A_328] {strides = array<i32>} : memref<16x768xf32, #tpu.memory_space<vmem>>, vector<1x16xf32>,
        %get3A_330 = vector.shape_cast %get3A_329 : vector<1x16xf32> to vector<16xf32>
        %add3A_331 = arith.addf %get3A_325, %get3A_330 : vector<16xf32>
        %mul3A_332 = arith.mulf %broadcast_in_dim3A_175, %sub3A : vector<16xf32>
        %add3A_333 = arith.addf %get3A_236, %mul3A_332 : vector<16xf32>
        %add3A_334 = arith.addf %add3A_331, %add3A_333 : vector<16xf32>
        %swap3A_335 = arith.constant 4 : i32
        %swap3A_336 = arith.index_cast %swap3A_335 : i32 to index
        %swap3A_337 = arith.index_cast %mul3A_231 : i32 to index
        %swap3A_338 = tpu.vector_load %arg18[%swap3A_336, %swap3A_337] {strides = array<i32>} : memref<16x768xf32, #tpu.memory_space<vmem>>, vector<1x16xf32>,
        %swap3A_339 = vector.shape_cast %swap3A_338 : vector<1x16xf32> to vector<16xf32>
        %swap3A_340 = vector.shape_cast %add3A_334 : vector<16xf32> to vector<1x16xf32>
        tpu.vector_store %arg18[%swap3A_336, %swap3A_337], %swap3A_340 {strides = array<i32>} : memref<16x768xf32, #tpu.memory_space<vmem>>, vector<1x16xf32>,
        %get3A_341 = arith.constant 5 : i32
        %get3A_342 = arith.index_cast %get3A_341 : i32 to index
        %get3A_343 = arith.index_cast %mul3A_231 : i32 to index
        %get3A_344 = tpu.vector_load %arg16[%get3A_342, %get3A_343] {strides = array<i32>} : memref<16x768xf32, #tpu.memory_space<vmem>>, vector<1x16xf32>,
        %get3A_345 = vector.shape_cast %get3A_344 : vector<1x16xf32> to vector<16xf32>
        %get3A_346 = arith.constant 5 : i32
        %get3A_347 = arith.index_cast %get3A_346 : i32 to index
        %get3A_348 = arith.index_cast %mul3A_231 : i32 to index
        %get3A_349 = tpu.vector_load %arg17[%get3A_347, %get3A_348] {strides = array<i32>} : memref<16x768xf32, #tpu.memory_space<vmem>>, vector<1x16xf32>,
        %get3A_350 = vector.shape_cast %get3A_349 : vector<1x16xf32> to vector<16xf32>
        %add3A_351 = arith.addf %get3A_345, %get3A_350 : vector<16xf32>
        %mul3A_352 = arith.mulf %broadcast_in_dim3A_178, %sub3A : vector<16xf32>
        %add3A_353 = arith.addf %get3A_236, %mul3A_352 : vector<16xf32>
        %add3A_354 = arith.addf %add3A_351, %add3A_353 : vector<16xf32>
        %swap3A_355 = arith.constant 5 : i32
        %swap3A_356 = arith.index_cast %swap3A_355 : i32 to index
        %swap3A_357 = arith.index_cast %mul3A_231 : i32 to index
        %swap3A_358 = tpu.vector_load %arg18[%swap3A_356, %swap3A_357] {strides = array<i32>} : memref<16x768xf32, #tpu.memory_space<vmem>>, vector<1x16xf32>,
        %swap3A_359 = vector.shape_cast %swap3A_358 : vector<1x16xf32> to vector<16xf32>
        %swap3A_360 = vector.shape_cast %add3A_354 : vector<16xf32> to vector<1x16xf32>
        tpu.vector_store %arg18[%swap3A_356, %swap3A_357], %swap3A_360 {strides = array<i32>} : memref<16x768xf32, #tpu.memory_space<vmem>>, vector<1x16xf32>,
        %get3A_361 = arith.constant 6 : i32
        %get3A_362 = arith.index_cast %get3A_361 : i32 to index
        %get3A_363 = arith.index_cast %mul3A_231 : i32 to index
        %get3A_364 = tpu.vector_load %arg16[%get3A_362, %get3A_363] {strides = array<i32>} : memref<16x768xf32, #tpu.memory_space<vmem>>, vector<1x16xf32>,
        %get3A_365 = vector.shape_cast %get3A_364 : vector<1x16xf32> to vector<16xf32>
        %get3A_366 = arith.constant 6 : i32
        %get3A_367 = arith.index_cast %get3A_366 : i32 to index
        %get3A_368 = arith.index_cast %mul3A_231 : i32 to index
        %get3A_369 = tpu.vector_load %arg17[%get3A_367, %get3A_368] {strides = array<i32>} : memref<16x768xf32, #tpu.memory_space<vmem>>, vector<1x16xf32>,
        %get3A_370 = vector.shape_cast %get3A_369 : vector<1x16xf32> to vector<16xf32>
        %add3A_371 = arith.addf %get3A_365, %get3A_370 : vector<16xf32>
        %mul3A_372 = arith.mulf %broadcast_in_dim3A_181, %sub3A : vector<16xf32>
        %add3A_373 = arith.addf %get3A_236, %mul3A_372 : vector<16xf32>
        %add3A_374 = arith.addf %add3A_371, %add3A_373 : vector<16xf32>
        %swap3A_375 = arith.constant 6 : i32
        %swap3A_376 = arith.index_cast %swap3A_375 : i32 to index
        %swap3A_377 = arith.index_cast %mul3A_231 : i32 to index
        %swap3A_378 = tpu.vector_load %arg18[%swap3A_376, %swap3A_377] {strides = array<i32>} : memref<16x768xf32, #tpu.memory_space<vmem>>, vector<1x16xf32>,
        %swap3A_379 = vector.shape_cast %swap3A_378 : vector<1x16xf32> to vector<16xf32>
        %swap3A_380 = vector.shape_cast %add3A_374 : vector<16xf32> to vector<1x16xf32>
        tpu.vector_store %arg18[%swap3A_376, %swap3A_377], %swap3A_380 {strides = array<i32>} : memref<16x768xf32, #tpu.memory_space<vmem>>, vector<1x16xf32>,
        %get3A_381 = arith.constant 7 : i32
        %get3A_382 = arith.index_cast %get3A_381 : i32 to index
        %get3A_383 = arith.index_cast %mul3A_231 : i32 to index
        %get3A_384 = tpu.vector_load %arg16[%get3A_382, %get3A_383] {strides = array<i32>} : memref<16x768xf32, #tpu.memory_space<vmem>>, vector<1x16xf32>,
        %get3A_385 = vector.shape_cast %get3A_384 : vector<1x16xf32> to vector<16xf32>
        %get3A_386 = arith.constant 7 : i32
        %get3A_387 = arith.index_cast %get3A_386 : i32 to index
        %get3A_388 = arith.index_cast %mul3A_231 : i32 to index
        %get3A_389 = tpu.vector_load %arg17[%get3A_387, %get3A_388] {strides = array<i32>} : memref<16x768xf32, #tpu.memory_space<vmem>>, vector<1x16xf32>,
        %get3A_390 = vector.shape_cast %get3A_389 : vector<1x16xf32> to vector<16xf32>
        %add3A_391 = arith.addf %get3A_385, %get3A_390 : vector<16xf32>
        %mul3A_392 = arith.mulf %broadcast_in_dim3A_184, %sub3A : vector<16xf32>
        %add3A_393 = arith.addf %get3A_236, %mul3A_392 : vector<16xf32>
        %add3A_394 = arith.addf %add3A_391, %add3A_393 : vector<16xf32>
        %swap3A_395 = arith.constant 7 : i32
        %swap3A_396 = arith.index_cast %swap3A_395 : i32 to index
        %swap3A_397 = arith.index_cast %mul3A_231 : i32 to index
        %swap3A_398 = tpu.vector_load %arg18[%swap3A_396, %swap3A_397] {strides = array<i32>} : memref<16x768xf32, #tpu.memory_space<vmem>>, vector<1x16xf32>,
        %swap3A_399 = vector.shape_cast %swap3A_398 : vector<1x16xf32> to vector<16xf32>
        %swap3A_400 = vector.shape_cast %add3A_394 : vector<16xf32> to vector<1x16xf32>
        tpu.vector_store %arg18[%swap3A_396, %swap3A_397], %swap3A_400 {strides = array<i32>} : memref<16x768xf32, #tpu.memory_space<vmem>>, vector<1x16xf32>,
        %get3A_401 = arith.constant 8 : i32
        %get3A_402 = arith.index_cast %get3A_401 : i32 to index
        %get3A_403 = arith.index_cast %mul3A_231 : i32 to index
        %get3A_404 = tpu.vector_load %arg16[%get3A_402, %get3A_403] {strides = array<i32>} : memref<16x768xf32, #tpu.memory_space<vmem>>, vector<1x16xf32>,
        %get3A_405 = vector.shape_cast %get3A_404 : vector<1x16xf32> to vector<16xf32>
        %get3A_406 = arith.constant 8 : i32
        %get3A_407 = arith.index_cast %get3A_406 : i32 to index
        %get3A_408 = arith.index_cast %mul3A_231 : i32 to index
        %get3A_409 = tpu.vector_load %arg17[%get3A_407, %get3A_408] {strides = array<i32>} : memref<16x768xf32, #tpu.memory_space<vmem>>, vector<1x16xf32>,
        %get3A_410 = vector.shape_cast %get3A_409 : vector<1x16xf32> to vector<16xf32>
        %add3A_411 = arith.addf %get3A_405, %get3A_410 : vector<16xf32>
        %mul3A_412 = arith.mulf %broadcast_in_dim3A_187, %sub3A : vector<16xf32>
        %add3A_413 = arith.addf %get3A_236, %mul3A_412 : vector<16xf32>
        %add3A_414 = arith.addf %add3A_411, %add3A_413 : vector<16xf32>
        %swap3A_415 = arith.constant 8 : i32
        %swap3A_416 = arith.index_cast %swap3A_415 : i32 to index
        %swap3A_417 = arith.index_cast %mul3A_231 : i32 to index
        %swap3A_418 = tpu.vector_load %arg18[%swap3A_416, %swap3A_417] {strides = array<i32>} : memref<16x768xf32, #tpu.memory_space<vmem>>, vector<1x16xf32>,
        %swap3A_419 = vector.shape_cast %swap3A_418 : vector<1x16xf32> to vector<16xf32>
        %swap3A_420 = vector.shape_cast %add3A_414 : vector<16xf32> to vector<1x16xf32>
        tpu.vector_store %arg18[%swap3A_416, %swap3A_417], %swap3A_420 {strides = array<i32>} : memref<16x768xf32, #tpu.memory_space<vmem>>, vector<1x16xf32>,
        %get3A_421 = arith.constant 9 : i32
        %get3A_422 = arith.index_cast %get3A_421 : i32 to index
        %get3A_423 = arith.index_cast %mul3A_231 : i32 to index
        %get3A_424 = tpu.vector_load %arg16[%get3A_422, %get3A_423] {strides = array<i32>} : memref<16x768xf32, #tpu.memory_space<vmem>>, vector<1x16xf32>,
        %get3A_425 = vector.shape_cast %get3A_424 : vector<1x16xf32> to vector<16xf32>
        %get3A_426 = arith.constant 9 : i32
        %get3A_427 = arith.index_cast %get3A_426 : i32 to index
        %get3A_428 = arith.index_cast %mul3A_231 : i32 to index
        %get3A_429 = tpu.vector_load %arg17[%get3A_427, %get3A_428] {strides = array<i32>} : memref<16x768xf32, #tpu.memory_space<vmem>>, vector<1x16xf32>,
        %get3A_430 = vector.shape_cast %get3A_429 : vector<1x16xf32> to vector<16xf32>
        %add3A_431 = arith.addf %get3A_425, %get3A_430 : vector<16xf32>
        %mul3A_432 = arith.mulf %broadcast_in_dim3A_190, %sub3A : vector<16xf32>
        %add3A_433 = arith.addf %get3A_236, %mul3A_432 : vector<16xf32>
        %add3A_434 = arith.addf %add3A_431, %add3A_433 : vector<16xf32>
        %swap3A_435 = arith.constant 9 : i32
        %swap3A_436 = arith.index_cast %swap3A_435 : i32 to index
        %swap3A_437 = arith.index_cast %mul3A_231 : i32 to index
        %swap3A_438 = tpu.vector_load %arg18[%swap3A_436, %swap3A_437] {strides = array<i32>} : memref<16x768xf32, #tpu.memory_space<vmem>>, vector<1x16xf32>,
        %swap3A_439 = vector.shape_cast %swap3A_438 : vector<1x16xf32> to vector<16xf32>
        %swap3A_440 = vector.shape_cast %add3A_434 : vector<16xf32> to vector<1x16xf32>
        tpu.vector_store %arg18[%swap3A_436, %swap3A_437], %swap3A_440 {strides = array<i32>} : memref<16x768xf32, #tpu.memory_space<vmem>>, vector<1x16xf32>,
        %get3A_441 = arith.constant 10 : i32
        %get3A_442 = arith.index_cast %get3A_441 : i32 to index
        %get3A_443 = arith.index_cast %mul3A_231 : i32 to index
        %get3A_444 = tpu.vector_load %arg16[%get3A_442, %get3A_443] {strides = array<i32>} : memref<16x768xf32, #tpu.memory_space<vmem>>, vector<1x16xf32>,
        %get3A_445 = vector.shape_cast %get3A_444 : vector<1x16xf32> to vector<16xf32>
        %get3A_446 = arith.constant 10 : i32
        %get3A_447 = arith.index_cast %get3A_446 : i32 to index
        %get3A_448 = arith.index_cast %mul3A_231 : i32 to index
        %get3A_449 = tpu.vector_load %arg17[%get3A_447, %get3A_448] {strides = array<i32>} : memref<16x768xf32, #tpu.memory_space<vmem>>, vector<1x16xf32>,
        %get3A_450 = vector.shape_cast %get3A_449 : vector<1x16xf32> to vector<16xf32>
        %add3A_451 = arith.addf %get3A_445, %get3A_450 : vector<16xf32>
        %mul3A_452 = arith.mulf %broadcast_in_dim3A_193, %sub3A : vector<16xf32>
        %add3A_453 = arith.addf %get3A_236, %mul3A_452 : vector<16xf32>
        %add3A_454 = arith.addf %add3A_451, %add3A_453 : vector<16xf32>
        %swap3A_455 = arith.constant 10 : i32
        %swap3A_456 = arith.index_cast %swap3A_455 : i32 to index
        %swap3A_457 = arith.index_cast %mul3A_231 : i32 to index
        %swap3A_458 = tpu.vector_load %arg18[%swap3A_456, %swap3A_457] {strides = array<i32>} : memref<16x768xf32, #tpu.memory_space<vmem>>, vector<1x16xf32>,
        %swap3A_459 = vector.shape_cast %swap3A_458 : vector<1x16xf32> to vector<16xf32>
        %swap3A_460 = vector.shape_cast %add3A_454 : vector<16xf32> to vector<1x16xf32>
        tpu.vector_store %arg18[%swap3A_456, %swap3A_457], %swap3A_460 {strides = array<i32>} : memref<16x768xf32, #tpu.memory_space<vmem>>, vector<1x16xf32>,
        %get3A_461 = arith.constant 11 : i32
        %get3A_462 = arith.index_cast %get3A_461 : i32 to index
        %get3A_463 = arith.index_cast %mul3A_231 : i32 to index
        %get3A_464 = tpu.vector_load %arg16[%get3A_462, %get3A_463] {strides = array<i32>} : memref<16x768xf32, #tpu.memory_space<vmem>>, vector<1x16xf32>,
        %get3A_465 = vector.shape_cast %get3A_464 : vector<1x16xf32> to vector<16xf32>
        %get3A_466 = arith.constant 11 : i32
        %get3A_467 = arith.index_cast %get3A_466 : i32 to index
        %get3A_468 = arith.index_cast %mul3A_231 : i32 to index
        %get3A_469 = tpu.vector_load %arg17[%get3A_467, %get3A_468] {strides = array<i32>} : memref<16x768xf32, #tpu.memory_space<vmem>>, vector<1x16xf32>,
        %get3A_470 = vector.shape_cast %get3A_469 : vector<1x16xf32> to vector<16xf32>
        %add3A_471 = arith.addf %get3A_465, %get3A_470 : vector<16xf32>
        %mul3A_472 = arith.mulf %broadcast_in_dim3A_196, %sub3A : vector<16xf32>
        %add3A_473 = arith.addf %get3A_236, %mul3A_472 : vector<16xf32>
        %add3A_474 = arith.addf %add3A_471, %add3A_473 : vector<16xf32>
        %swap3A_475 = arith.constant 11 : i32
        %swap3A_476 = arith.index_cast %swap3A_475 : i32 to index
        %swap3A_477 = arith.index_cast %mul3A_231 : i32 to index
        %swap3A_478 = tpu.vector_load %arg18[%swap3A_476, %swap3A_477] {strides = array<i32>} : memref<16x768xf32, #tpu.memory_space<vmem>>, vector<1x16xf32>,
        %swap3A_479 = vector.shape_cast %swap3A_478 : vector<1x16xf32> to vector<16xf32>
        %swap3A_480 = vector.shape_cast %add3A_474 : vector<16xf32> to vector<1x16xf32>
        tpu.vector_store %arg18[%swap3A_476, %swap3A_477], %swap3A_480 {strides = array<i32>} : memref<16x768xf32, #tpu.memory_space<vmem>>, vector<1x16xf32>,
        %get3A_481 = arith.constant 12 : i32
        %get3A_482 = arith.index_cast %get3A_481 : i32 to index
        %get3A_483 = arith.index_cast %mul3A_231 : i32 to index
        %get3A_484 = tpu.vector_load %arg16[%get3A_482, %get3A_483] {strides = array<i32>} : memref<16x768xf32, #tpu.memory_space<vmem>>, vector<1x16xf32>,
        %get3A_485 = vector.shape_cast %get3A_484 : vector<1x16xf32> to vector<16xf32>
        %get3A_486 = arith.constant 12 : i32
        %get3A_487 = arith.index_cast %get3A_486 : i32 to index
        %get3A_488 = arith.index_cast %mul3A_231 : i32 to index
        %get3A_489 = tpu.vector_load %arg17[%get3A_487, %get3A_488] {strides = array<i32>} : memref<16x768xf32, #tpu.memory_space<vmem>>, vector<1x16xf32>,
        %get3A_490 = vector.shape_cast %get3A_489 : vector<1x16xf32> to vector<16xf32>
        %add3A_491 = arith.addf %get3A_485, %get3A_490 : vector<16xf32>
        %mul3A_492 = arith.mulf %broadcast_in_dim3A_199, %sub3A : vector<16xf32>
        %add3A_493 = arith.addf %get3A_236, %mul3A_492 : vector<16xf32>
        %add3A_494 = arith.addf %add3A_491, %add3A_493 : vector<16xf32>
        %swap3A_495 = arith.constant 12 : i32
        %swap3A_496 = arith.index_cast %swap3A_495 : i32 to index
        %swap3A_497 = arith.index_cast %mul3A_231 : i32 to index
        %swap3A_498 = tpu.vector_load %arg18[%swap3A_496, %swap3A_497] {strides = array<i32>} : memref<16x768xf32, #tpu.memory_space<vmem>>, vector<1x16xf32>,
        %swap3A_499 = vector.shape_cast %swap3A_498 : vector<1x16xf32> to vector<16xf32>
        %swap3A_500 = vector.shape_cast %add3A_494 : vector<16xf32> to vector<1x16xf32>
        tpu.vector_store %arg18[%swap3A_496, %swap3A_497], %swap3A_500 {strides = array<i32>} : memref<16x768xf32, #tpu.memory_space<vmem>>, vector<1x16xf32>,
        %get3A_501 = arith.constant 13 : i32
        %get3A_502 = arith.index_cast %get3A_501 : i32 to index
        %get3A_503 = arith.index_cast %mul3A_231 : i32 to index
        %get3A_504 = tpu.vector_load %arg16[%get3A_502, %get3A_503] {strides = array<i32>} : memref<16x768xf32, #tpu.memory_space<vmem>>, vector<1x16xf32>,
        %get3A_505 = vector.shape_cast %get3A_504 : vector<1x16xf32> to vector<16xf32>
        %get3A_506 = arith.constant 13 : i32
        %get3A_507 = arith.index_cast %get3A_506 : i32 to index
        %get3A_508 = arith.index_cast %mul3A_231 : i32 to index
        %get3A_509 = tpu.vector_load %arg17[%get3A_507, %get3A_508] {strides = array<i32>} : memref<16x768xf32, #tpu.memory_space<vmem>>, vector<1x16xf32>,
        %get3A_510 = vector.shape_cast %get3A_509 : vector<1x16xf32> to vector<16xf32>
        %add3A_511 = arith.addf %get3A_505, %get3A_510 : vector<16xf32>
        %mul3A_512 = arith.mulf %broadcast_in_dim3A_202, %sub3A : vector<16xf32>
        %add3A_513 = arith.addf %get3A_236, %mul3A_512 : vector<16xf32>
        %add3A_514 = arith.addf %add3A_511, %add3A_513 : vector<16xf32>
        %swap3A_515 = arith.constant 13 : i32
        %swap3A_516 = arith.index_cast %swap3A_515 : i32 to index
        %swap3A_517 = arith.index_cast %mul3A_231 : i32 to index
        %swap3A_518 = tpu.vector_load %arg18[%swap3A_516, %swap3A_517] {strides = array<i32>} : memref<16x768xf32, #tpu.memory_space<vmem>>, vector<1x16xf32>,
        %swap3A_519 = vector.shape_cast %swap3A_518 : vector<1x16xf32> to vector<16xf32>
        %swap3A_520 = vector.shape_cast %add3A_514 : vector<16xf32> to vector<1x16xf32>
        tpu.vector_store %arg18[%swap3A_516, %swap3A_517], %swap3A_520 {strides = array<i32>} : memref<16x768xf32, #tpu.memory_space<vmem>>, vector<1x16xf32>,
        %get3A_521 = arith.constant 14 : i32
        %get3A_522 = arith.index_cast %get3A_521 : i32 to index
        %get3A_523 = arith.index_cast %mul3A_231 : i32 to index
        %get3A_524 = tpu.vector_load %arg16[%get3A_522, %get3A_523] {strides = array<i32>} : memref<16x768xf32, #tpu.memory_space<vmem>>, vector<1x16xf32>,
        %get3A_525 = vector.shape_cast %get3A_524 : vector<1x16xf32> to vector<16xf32>
        %get3A_526 = arith.constant 14 : i32
        %get3A_527 = arith.index_cast %get3A_526 : i32 to index
        %get3A_528 = arith.index_cast %mul3A_231 : i32 to index
        %get3A_529 = tpu.vector_load %arg17[%get3A_527, %get3A_528] {strides = array<i32>} : memref<16x768xf32, #tpu.memory_space<vmem>>, vector<1x16xf32>,
        %get3A_530 = vector.shape_cast %get3A_529 : vector<1x16xf32> to vector<16xf32>
        %add3A_531 = arith.addf %get3A_525, %get3A_530 : vector<16xf32>
        %mul3A_532 = arith.mulf %broadcast_in_dim3A_205, %sub3A : vector<16xf32>
        %add3A_533 = arith.addf %get3A_236, %mul3A_532 : vector<16xf32>
        %add3A_534 = arith.addf %add3A_531, %add3A_533 : vector<16xf32>
        %swap3A_535 = arith.constant 14 : i32
        %swap3A_536 = arith.index_cast %swap3A_535 : i32 to index
        %swap3A_537 = arith.index_cast %mul3A_231 : i32 to index
        %swap3A_538 = tpu.vector_load %arg18[%swap3A_536, %swap3A_537] {strides = array<i32>} : memref<16x768xf32, #tpu.memory_space<vmem>>, vector<1x16xf32>,
        %swap3A_539 = vector.shape_cast %swap3A_538 : vector<1x16xf32> to vector<16xf32>
        %swap3A_540 = vector.shape_cast %add3A_534 : vector<16xf32> to vector<1x16xf32>
        tpu.vector_store %arg18[%swap3A_536, %swap3A_537], %swap3A_540 {strides = array<i32>} : memref<16x768xf32, #tpu.memory_space<vmem>>, vector<1x16xf32>,
        %get3A_541 = arith.constant 15 : i32
        %get3A_542 = arith.index_cast %get3A_541 : i32 to index
        %get3A_543 = arith.index_cast %mul3A_231 : i32 to index
        %get3A_544 = tpu.vector_load %arg16[%get3A_542, %get3A_543] {strides = array<i32>} : memref<16x768xf32, #tpu.memory_space<vmem>>, vector<1x16xf32>,
        %get3A_545 = vector.shape_cast %get3A_544 : vector<1x16xf32> to vector<16xf32>
        %get3A_546 = arith.constant 15 : i32
        %get3A_547 = arith.index_cast %get3A_546 : i32 to index
        %get3A_548 = arith.index_cast %mul3A_231 : i32 to index
        %get3A_549 = tpu.vector_load %arg17[%get3A_547, %get3A_548] {strides = array<i32>} : memref<16x768xf32, #tpu.memory_space<vmem>>, vector<1x16xf32>,
        %get3A_550 = vector.shape_cast %get3A_549 : vector<1x16xf32> to vector<16xf32>
        %add3A_551 = arith.addf %get3A_545, %get3A_550 : vector<16xf32>
        %mul3A_552 = arith.mulf %broadcast_in_dim3A_208, %sub3A : vector<16xf32>
        %add3A_553 = arith.addf %get3A_236, %mul3A_552 : vector<16xf32>
        %add3A_554 = arith.addf %add3A_551, %add3A_553 : vector<16xf32>
        %swap3A_555 = arith.constant 15 : i32
        %swap3A_556 = arith.index_cast %swap3A_555 : i32 to index
        %swap3A_557 = arith.index_cast %mul3A_231 : i32 to index
        %swap3A_558 = tpu.vector_load %arg18[%swap3A_556, %swap3A_557] {strides = array<i32>} : memref<16x768xf32, #tpu.memory_space<vmem>>, vector<1x16xf32>,
        %swap3A_559 = vector.shape_cast %swap3A_558 : vector<1x16xf32> to vector<16xf32>
        %swap3A_560 = vector.shape_cast %add3A_554 : vector<16xf32> to vector<1x16xf32>
        tpu.vector_store %arg18[%swap3A_556, %swap3A_557], %swap3A_560 {strides = array<i32>} : memref<16x768xf32, #tpu.memory_space<vmem>>, vector<1x16xf32>,
      }
      %scan3A_214 = arith.constant 48 : i32
      %mul3A_215 = arith.constant 16 : i32
      %mul3A_216 = arith.muli %add3A_137, %mul3A_215 : i32
      %add3A_217 = arith.addi %mul3A_2, %mul3A_216 : i32
      %dma_start3A_218 = arith.constant 0 : i32
      %dma_start3A_219 = tpu.memref_slice %arg8[%add3A_217, %dma_start3A_218] : memref<8192x768xf32, #tpu.memory_space<hbm>> -> memref<16x768xf32, #tpu.memory_space<hbm>>
      %dma_start3A_220 = arith.constant 0 : i32
      %dma_start3A_221 = tpu.memref_slice %arg8[%add3A_217, %dma_start3A_220] : memref<8192x768xf32, #tpu.memory_space<hbm>> -> memref<16x768xf32, #tpu.memory_space<hbm>>
      tpu.enqueue_dma source(%arg18 : memref<16x768xf32, #tpu.memory_space<vmem>>) target(%dma_start3A_221 : memref<16x768xf32, #tpu.memory_space<hbm>>) target_semaphore(%arg22 : memref<!tpu.dma_semaphore, #tpu.memory_space<semaphore_mem>>)
      %add3A_222 = arith.constant 2 : i32
      %add3A_223 = arith.addi %add3A_137, %add3A_222 : i32
      %lt3A_224 = arith.constant 16 : i32
      %lt3A_225 = arith.cmpi slt, %add3A_223, %lt3A_224 : i32
      %convert_element_type3A_226 = arith.extui %lt3A_225 : i1 to i32
      %cond3A_227 = arith.constant 0 : i32
      %cond3A_228 = arith.cmpi ne, %convert_element_type3A_226, %cond3A_227 : i32
      scf.if %cond3A_228 {
        %add3A_229 = arith.constant 2 : i32
        %add3A_230 = arith.addi %add3A_137, %add3A_229 : i32
        %dma_start3A_231 = arith.constant 0 : i32
        %dma_start3A_232 = tpu.memref_slice %arg9[%add3A_230, %dma_start3A_231] : memref<16x16xi32, #tpu.memory_space<vmem>> -> memref<1x16xi32, #tpu.memory_space<vmem>>
        %dma_start3A_233 = tpu.memref_squeeze %dma_start3A_232 : memref<1x16xi32, #tpu.memory_space<vmem>> -> memref<16xi32, #tpu.memory_space<vmem>>
        %dma_start3A_234 = arith.constant 0 : i32
        %dma_start3A_235 = arith.constant 0 : i32
        %dma_start3A_236 = tpu.memref_slice %arg5[%dma_start3A_234, %dma_start3A_235] : memref<100000x768xf32, #tpu.memory_space<hbm>> -> memref<100000x768xf32, #tpu.memory_space<hbm>>
        tpu.enqueue_indirect_dma source(%dma_start3A_236 : memref<100000x768xf32, #tpu.memory_space<hbm>>) target(%arg16 : memref<16x768xf32, #tpu.memory_space<vmem>>) offsets(%dma_start3A_233 : memref<16xi32, #tpu.memory_space<vmem>>) semaphore(%arg20 : memref<!tpu.dma_semaphore, #tpu.memory_space<semaphore_mem>>)
        %dma_start3A_237 = arith.constant 0 : i32
        %dma_start3A_238 = tpu.memref_slice %arg10[%add3A_230, %dma_start3A_237] : memref<16x16xi32, #tpu.memory_space<vmem>> -> memref<1x16xi32, #tpu.memory_space<vmem>>
        %dma_start3A_239 = tpu.memref_squeeze %dma_start3A_238 : memref<1x16xi32, #tpu.memory_space<vmem>> -> memref<16xi32, #tpu.memory_space<vmem>>
        %dma_start3A_240 = arith.constant 0 : i32
        %dma_start3A_241 = arith.constant 0 : i32
        %dma_start3A_242 = tpu.memref_slice %arg6[%dma_start3A_240, %dma_start3A_241] : memref<2048x768xf32, #tpu.memory_space<hbm>> -> memref<2048x768xf32, #tpu.memory_space<hbm>>
        tpu.enqueue_indirect_dma source(%dma_start3A_242 : memref<2048x768xf32, #tpu.memory_space<hbm>>) target(%arg17 : memref<16x768xf32, #tpu.memory_space<vmem>>) offsets(%dma_start3A_239 : memref<16xi32, #tpu.memory_space<vmem>>) semaphore(%arg20 : memref<!tpu.dma_semaphore, #tpu.memory_space<semaphore_mem>>)
      } else {
      }
    }
    %scan3A_34 = arith.constant 8 : i32
    %add3A_35 = arith.constant 224 : i32
    %add3A_36 = arith.addi %mul3A_2, %add3A_35 : i32
    %dma_wait3A = arith.constant 0 : i32
    %dma_wait3A_37 = tpu.memref_slice %arg8[%add3A_36, %dma_wait3A] : memref<8192x768xf32, #tpu.memory_space<hbm>> -> memref<16x768xf32, #tpu.memory_space<hbm>>
    %dma_wait3A_38 = arith.constant 0 : i32
    %dma_wait3A_39 = tpu.memref_slice %arg8[%add3A_36, %dma_wait3A_38] : memref<8192x768xf32, #tpu.memory_space<hbm>> -> memref<16x768xf32, #tpu.memory_space<hbm>>
    tpu.wait_dma2 semaphore(%arg21 : memref<!tpu.dma_semaphore, #tpu.memory_space<semaphore_mem>>) src(%arg15 : memref<16x768xf32, #tpu.memory_space<vmem>>) dst(%dma_wait3A_39 : memref<16x768xf32, #tpu.memory_space<hbm>>)
    %add3A_40 = arith.constant 240 : i32
    %add3A_41 = arith.addi %mul3A_2, %add3A_40 : i32
    %dma_wait3A_42 = arith.constant 0 : i32
    %dma_wait3A_43 = tpu.memref_slice %arg8[%add3A_41, %dma_wait3A_42] : memref<8192x768xf32, #tpu.memory_space<hbm>> -> memref<16x768xf32, #tpu.memory_space<hbm>>
    %dma_wait3A_44 = arith.constant 0 : i32
    %dma_wait3A_45 = tpu.memref_slice %arg8[%add3A_41, %dma_wait3A_44] : memref<8192x768xf32, #tpu.memory_space<hbm>> -> memref<16x768xf32, #tpu.memory_space<hbm>>
    tpu.wait_dma2 semaphore(%arg22 : memref<!tpu.dma_semaphore, #tpu.memory_space<semaphore_mem>>) src(%arg18 : memref<16x768xf32, #tpu.memory_space<vmem>>) dst(%dma_wait3A_45 : memref<16x768xf32, #tpu.memory_space<hbm>>)
    return
  }
}

</mosaic_0001>

<sc_bundles>
// kernel: kernel.3.cloned.1.call-start
scs
__scs_entry_jumppad:
0x0: {  	(pc) =	sbr.rel $0x88, $3  }
0x1: {  	(tag) =	ssettag $0x0;
	lr =	simm.s32 $0x1  }
0x2: {  	[smem:$0x3F9B] =	sst lr;
	_ =	strace $0xD0000000  }
0x3: {  	_ = 	snop  }
0x4: {  	_ = 	snop  }
0x5: {  	_ = 	snop  }
0x6: {  	_ = 	snop  }
0x7: {  	_ = 	snop  }
__scs_overlays_trampoline_lowered:
0x8: {  	[smem:$0x3FAA] =	sst s0  }
0x9: {  	[smem:$0x3FAB] =	sst s1  }
0xa: {  	[smem:$0x3FAC] =	sst s2  }
0xb: {  	[smem:$0x3FAD] =	sst s3  }
0xc: {  	[smem:$0x3FAE] =	sst s4  }
0xd: {  	[smem:$0x3FAF] =	sst s5  }
0xe: {  	[smem:$0x3FB0] =	sst s6  }
0xf: {  	[smem:$0x3FB1] =	sst s7  }
0x10: {  	[smem:$0x3FB2] =	sst s8  }
0x11: {  	[smem:$0x3FB3] =	sst s9;
	s0 =	simm.s32 @!p0 $0x0  }
0x12: {  	s1 =	sld [smem:$0x3F99];
	s0 =	simm.s32 @p0 $0x1  }
0x13: {  	[smem:$0x3FB4] =	sst s0;
	s0 =	simm.s32 @!p1 $0x0  }
0x14: {  	s2 =	sld [smem:$0x3F98];
	s0 =	simm.s32 @p1 $0x1  }
0x15: {  	[smem:$0x3FB5] =	sst s0;
	s0 =	simm.s32 @!p2 $0x0  }
0x16: {  	s3 =	sld [smem:$0x3FDB];
	s0 =	simm.s32 @p2 $0x1  }
0x17: {  	s4 =	simm.s32 $0x1BF5;
	[smem:$0x3FB7] =	sst s0  }
0x18: {  	s0 =	sld [smem:$0x3F9A];
	_ =	swait.ge [sflag:s4], $0x0  }
0x19: {  	s7 =	sld [smem:$0x3F9B]  }
0x1a: {  	s8 =	sadd.s32 $0xFFFFE003, lr  }
0x1b: {  	s9 =	sadd.s32 $0xFFFFFEF7, lr;
	s5 =	simm.s32 $0xFFFFFFFF;
	p2 =	slt.u32 s8, $0xFFFFF086  }
0x1c: {  	p1 =	slt.u32 s9, $0xF7A;
	s5 =	simm.s32 @!p2 $0x0  }
0x1d: {  	s5 =	simm.s32 @p1 $0x1;
	p0 =	seq.s32 s7, s2  }
0x1e: {  	s7 =	smul.u32 @!p0 $0xF7A, s2;
	p2 =	seq.s32 @!p0 s5, $0x0  }
0x1f: {  	s9 =	smul.u32 $0xF7A, s1;
	s8 =	simm.s32 @!p0 $0x1BF5;
	p2 =	por !p2, p0  }
0x20: {  	[sflag:s8] =	ssyncset.s32 @!p0 $0xFFFFF086;
	s6 =	sadd.s32 @!p0 s3, s7;
	s7 =	simm.s32 @!p0 $0x108  }
0x21: {  	s3 =	sadd.s32 s3, s9;
	s6 =	sadd.s32 @!p0 $0x88, s6;
	s7 =	simm.s32 @p2 $0x1082  }
0x22: {  	[simem:s7], [sflag:s8] =	dma.local @!p0 [hbm:s6], $0xF7A  }
0x23: {  	s9 =	sor.u32 $0xD0000000, s2;
	s6 =	simm.s32 $0x108;
	_ =	swait.ge @!p0 [sflag:s8], $0x0  }
0x24: {  	s3 =	sadd.s32 $0x88, s3;
	s6 =	simm.s32 @!p1 $0x1082;
	[sflag:s4] =	ssyncset.s32 $0xFFFFF086  }
0x25: {  	[simem:s6], [sflag:s4] =	dma.local [hbm:s3], $0xF7A  }
0x26: {  	[smem:$0x3F9B] =	sst s1;
	(tag) =	ssettag s2;
	_ =	strace s9  }
0x27: {  	s1 =	sld [smem:$0x3FAB]  }
0x28: {  	s2 =	sld [smem:$0x3FAC]  }
0x29: {  	s4 =	sld [smem:$0x3FAE]  }
0x2a: {  	p0 =	seq.s32 s5, $0x0;
	s5 =	sld [smem:$0x3FAF]  }
0x2b: {  	s6 =	sld [smem:$0x3FB0]  }
0x2c: {  	s7 =	sld [smem:$0x3FB1]  }
0x2d: {  	s3 =	simm.s32 $0x108;
	s8 =	sld [smem:$0x3FB2]  }
0x2e: {  	s3 =	simm.s32 @!p0 $0x1082;
	s9 =	sld [smem:$0x3FB3]  }
0x2f: {  	lr =	sadd.s32 s0, s3;
	s0 =	sld [smem:$0x3FAA]  }
0x30: {  	s3 =	sld [smem:$0x3FAD]  }
0x31: {  	[smem:$0x3FB6] =	sst s10  }
0x32: {  	s10 =	sld [smem:$0x3FB4];
	_ =	sdelay $0x3  }
0x33: {  	p0 =	seq.s32 s10, $0x1;
	s10 =	sld [smem:$0x3FB6];
	_ =	sdelay $0x3  }
0x34: {  	[smem:$0x3FB6] =	sst s10  }
0x35: {  	s10 =	sld [smem:$0x3FB5];
	_ =	sdelay $0x3  }
0x36: {  	p1 =	seq.s32 s10, $0x1;
	s10 =	sld [smem:$0x3FB6];
	_ =	sdelay $0x3  }
0x37: {  	[smem:$0x3FB6] =	sst s10  }
0x38: {  	s10 =	sld [smem:$0x3FB7]  }
0x39: {  	_ = 	snop;
	(pc) =	sbr.ind lr, $3  }
0x3a: {  	_ = 	snop  }
0x3b: {  	_ = 	snop  }
0x3c: {  	p2 =	seq.s32 s10, $0x1;
	s10 =	sld [smem:$0x3FB6]  }
0x3d: {  	_ =	shalt  }
0x3e: {  	_ =	shalt  }
0x3f: {  	_ =	shalt  }
0x40: {  	_ =	shalt  }
0x41: {  	_ =	shalt  }
0x42: {  	_ =	shalt  }
0x43: {  	_ =	shalt  }
0x44: {  	_ =	shalt  }
0x45: {  	_ =	shalt  }
0x46: {  	_ =	shalt  }
0x47: {  	_ =	shalt  }
0x48: {  	_ =	shalt  }
0x49: {  	_ =	shalt  }
0x4a: {  	_ =	shalt  }
0x4b: {  	_ =	shalt  }
0x4c: {  	_ =	shalt  }
0x4d: {  	_ =	shalt  }
0x4e: {  	_ =	shalt  }
0x4f: {  	_ =	shalt  }
0x50: {  	_ =	shalt  }
0x51: {  	_ =	shalt  }
0x52: {  	_ =	shalt  }
0x53: {  	_ =	shalt  }
0x54: {  	_ =	shalt  }
0x55: {  	_ =	shalt  }
0x56: {  	_ =	shalt  }
0x57: {  	_ =	shalt  }
0x58: {  	_ =	shalt  }
0x59: {  	_ =	shalt  }
0x5a: {  	_ =	shalt  }
0x5b: {  	_ =	shalt  }
0x5c: {  	_ =	shalt  }
0x5d: {  	_ =	shalt  }
0x5e: {  	_ =	shalt  }
0x5f: {  	_ =	shalt  }
0x60: {  	_ =	shalt  }
0x61: {  	_ =	shalt  }
0x62: {  	_ =	shalt  }
0x63: {  	_ =	shalt  }
0x64: {  	_ =	shalt  }
0x65: {  	_ =	shalt  }
0x66: {  	_ =	shalt  }
0x67: {  	_ =	shalt  }
0x68: {  	_ =	shalt  }
0x69: {  	_ =	shalt  }
0x6a: {  	_ =	shalt  }
0x6b: {  	_ =	shalt  }
0x6c: {  	_ =	shalt  }
0x6d: {  	_ =	shalt  }
0x6e: {  	_ =	shalt  }
0x6f: {  	_ =	shalt  }
0x70: {  	_ =	shalt  }
0x71: {  	_ =	shalt  }
0x72: {  	_ =	shalt  }
0x73: {  	_ =	shalt  }
0x74: {  	_ =	shalt  }
0x75: {  	_ =	shalt  }
0x76: {  	_ =	shalt  }
0x77: {  	_ =	shalt  }
0x78: {  	_ =	shalt  }
0x79: {  	_ =	shalt  }
0x7a: {  	_ =	shalt  }
0x7b: {  	_ =	shalt  }
0x7c: {  	_ =	shalt  }
0x7d: {  	_ =	shalt  }
0x7e: {  	_ =	shalt  }
0x7f: {  	_ =	shalt  }
0x80: {  	_ =	shalt  }
0x81: {  	_ =	shalt  }
0x82: {  	_ =	shalt  }
0x83: {  	_ =	shalt  }
0x84: {  	_ =	shalt  }
0x85: {  	_ =	shalt  }
0x86: {  	_ =	shalt  }
0x87: {  	_ =	shalt  }
.Lfunc_end0:
.L_simem_size_0:
called_computation_lowered:
.L_overlay_start_0:
0x88: {  	s2 =	sld [smem:$0x3FD9]  }
0x89: {  	s3 =	sld [smem:$0x3FFE];
	_ =	sdelay $0x1  }
0x8a: {  	s1 =	srdreg.scid  }
0x8b: {  	s0 =	sand.u32 $0x1, s1  }
0x8c: {  	s17 =	sshll.u32 s0, $0xA;
	s2 =	sadd.s32 s3, s2  }
0x8d: {  	s2 =	sadd.s32 s2, s17  }
0x8e: {  	[smem:$0x3FC2] =	sst s2  }
0x8f: {  	_ = 	snop  }
0x90: {  	s2 =	sld [smem:$0x3FC6]  }
0x91: {  	s18 =	sld [smem:$0x3FC5]  }
0x92: {  	s4 =	sld [smem:$0x3FC4]  }
0x93: {  	s5 =	sld [smem:$0x3FD0];
	(tm) =	ssettm $0x1  }
0x94: {  	s6 =	sld [smem:$0x3FFB];
	_ =	sdelay $0x3  }
0x95: {  	_ =	strace s6  }
0x96: {  	s6 =	sld [smem:$0x3FFC];
	_ =	sdelay $0x3  }
0x97: {  	_ =	strace s6  }
0x98: {  	s6 =	sld [smem:$0x3FFD];
	_ =	sdelay $0x3  }
0x99: {  	_ =	strace s6  }
0x9a: {  	_ =	strace $0x8FFFFFFF  }
0x9b: {  	s19 =	sld [smem:$0x3FDB];
	_ =	sdelay $0x1  }
0x9c: {  	s7 =	simm.s32 $_scs_section_size  }
0x9d: {  	s8 =	simm.s32 $_size__tile_overlayer_lowered;
	s9 =	simm.s32 $_tile_overlayer_lowered  }
0x9e: {  	s22 =	simm.s32 $0x1BFF;
	s21 =	sshll.u32 s9, $0x1;
	s6 =	sadd.s32 s7, s19  }
0x9f: {  	s10 =	simm.s32 $0x0;
	s20 =	sshll.u32 s8, $0x1;
	s8 =	sadd.s32 s21, s6  }
0xa0: {  	[timem:s10], [sflag:s22] =	dma.local [hbm:s8], s20  }
0xa1: {  	_ =	swait.ge [sflag:s22], s20  }
0xa2: {  	s7 =	ssub.s32 $0x0, s20;
	[sflag:s22] =	ssyncset.done $0x0  }
0xa3: {  	[sflag:s22] =	ssyncadd.s32 s7;
	_ =	sdelay $0x1  }
0xa4: {  	s23 =	simm.s32 $0x1B8B  }
0xa5: {  	_ =	swait.ge [sflag:s23], $0x1  }
0xa6: {  	[sflag:s23] =	ssyncset.done $0x0  }
0xa7: {  	s25 =	simm.s32 $0x1B8E;
	s24 =	sld [smem:$0x3FFE];
	[sflag:s23] =	ssyncadd.s32 $0xFFFFFFFF  }
0xa8: {  	s26 =	simm.s32 $execute0_lowered;
	[smem:$0x3FD2] =	sst s25  }
0xa9: {  	s8 =	sshll.u32 s26, $0x1;
	_ =	strace $0x80000046;
	[dreg:$0x1] =	wrdreg $0xFFFFFFFF  }
0xaa: {  	s28 =	simm.s32 $_size_execute0_lowered;
	s6 =	sadd.s32 s6, s8;
	[dreg:$0x0] =	wrdreg $0x0  }
0xab: {  	s8 =	sshll.u32 s28, $0x1;
	[dreg:$0x2] =	wrdreg s6  }
0xac: {  	[dreg:$0x3] =	wrdreg s8  }
0xad: {  	[dreg:$0x4] =	wrdreg $0xC0  }
0xae: {  	_ =	task [dreg:s10], $0x5FFFF  }
0xaf: {  	[dreg:$0x1] =	wrdreg $0xFFFFFFFF  }
0xb0: {  	[dreg:$0x0] =	wrdreg $0x60  }
0xb1: {  	[dreg:$0x2] =	wrdreg s24  }
0xb2: {  	[dreg:$0x3] =	wrdreg s2  }
0xb3: {  	[dreg:$0x4] =	wrdreg s18  }
0xb4: {  	[dreg:$0x5] =	wrdreg s4  }
0xb5: {  	[dreg:$0x6] =	wrdreg s5  }
0xb6: {  	[dreg:$0x7] =	wrdreg $0x9  }
0xb7: {  	_ =	task.clear_ibuf [dreg:s10], $0x8FFFF;
	_ =	strace $0x90000046  }
0xb8: {  	s29 =	simm.s32 $0x9;
	_ =	strace $0x80000048  }
0xb9: {  	_ =	swait.ge [sflag:s29], $0x1  }
0xba: {  	[sflag:s29] =	ssyncadd.s32 $0xFFFFFFFF  }
0xbb: {  	_ =	strace $0x90000048  }
0xbc: {  	_ =	sfence  }
0xbd: {  	s30 =	sld [smem:$0x0];
	_ =	sdelay $0x2  }
0xbe: {  	s31 =	sshll.u32 s1, $0xD;
	s1 =	sshrl.u32 s1, $0x2  }
0xbf: {  	s3 =	sand.u32 $0x4000, s31;
	s1 =	sadd.s32 s1, s30  }
0xc0: {  	s0 =	sor.u32 s3, s0;
	s1 =	sshll.u32 s1, $0x11  }
0xc1: {  	s0 =	sor.u32 s1, s0  }
0xc2: {  	s0 =	sadd.s32 $0x8F2B, s0  }
0xc3: {  	[sflag:s0] =	ssyncadd.remote.s32 $0x1  }
0xc4: {  	_ =	sfence.sel $0xFFFF  }
0xc5: {  	[dreg:$0x0] =	wrdreg $0xFFFFFFFF;
	(pc) =	sbr.abs _section_cstart, $3  }
0xc6: {  	[dreg:$0x1] =	wrdreg $0xFFFFFFFF  }
0xc7: {  	_ =	task.clear_ibuf [dreg:s10], $0x2FFFF;
	_ =	strace $0x9FFFFFFF  }
0xc8: {  	(tm) =	ssettm $0x7FFFFFFF  }
0xc9: {  	_ =	shalt  }
tec
execute0_lowered:
.L_overlay_start_1:
0x0: {  	(tag) =	ssettag $0x1  }
0x1: {  	s0 =	rddreg [dreg:$0x0]  }
0x2: {  	s1 =	rddreg [dreg:$0x1]  }
0x3: {  	s2 =	rddreg [dreg:$0x2]  }
0x4: {  	s5 =	rddreg [dreg:$0x4]  }
0x5: {  	s3 =	srdreg.scid;
	s4 =	stileid.u32  }
0x6: {  	s6 =	simm.s32 $0x0;
	s17 =	simm.s32 $0xC780;
	s18 =	simm.s32 $0xCF80  }
0x7: {  	s19 =	simm.s32 $0xD780;
	s20 =	simm.s32 $0xDF80;
	s21 =	simm.s32 $0xE780  }
0x8: {  	s22 =	simm.s32 $0xEF80;
	s23 =	simm.s32 $0xF780;
	s24 =	simm.s32 $0xFF80  }
0x9: {  	s28 =	simm.s32 $0x1;
	s29 =	simm.s32 $0x7780;
	s30 =	simm.s32 $0x2  }
0xa: {  	s3 =	sand.u32 $0x1, s3;
	s4 =	sshll.u32 s4, $0x1;
	[smem:$0x7FF] =	sst s6  }
0xb: {  	s10 =	sadd.s32 $0x100, s1;
	s11 =	sadd.s32 $0x200, s1;
	s4 =	sor.u32 s3, s4  }
0xc: {  	s12 =	sadd.s32 $0x100, s2;
	_ =	strace $0x80000047;
	s7 =	sshll.u32 s4, $0x8  }
0xd: {  	s3 =	ssub.s32 $0x2, s3;
	s4 =	sshll.u32 s4, $0x5;
	s8 =	sadd.s32 s7, s0  }
.Ltmp0:
0xe: {  	s9 =	sshrl.u32 s3, $0x1;
	s25 =	sadd.s32 $0x800, s8;
	(pc) =	sbr.rel .LBB2_1-.Ltmp0, $4  }
0xf: {  	s0 =	sadd.s32 s4, s0;
	s26 =	sadd.s32 $0x2800, s8;
	[dreg:$0x6] =	wrdreg s25  }
0x10: {  	v2 =	vlaneseq.u32;
	s3 =	ssub.s32 s3, s9;
	s0 =	sadd.s32 $0x400, s0;
	[dreg:$0x7] =	wrdreg s26  }
0x11: {  	vm0 =	vmmov $0xffff;
	s13 =	sadd.s32 $0x200, s2;
	v1 =	vshrl.u32 v2, $0x3;
	s31 =	smax.u32 s3, $0x1;
	[dreg:$0x8] =	wrdreg s0  }
0x12: {  	v0 =	vand.u32 $0x7, v2;
	v2 =	vor.u32 $0x8, v2;
	v1 =	vmul.u32 $0x8, v1;
	s4 =	simm.s32 $0x0;
	[dreg:$0x9] =	wrdreg s31;
	s25 =	simm.s32 $0x10780  }
.LBB2_8:
0x13: {  	s0 =	simm.s32 $0x3  }
0x14: {  	_ =	swait.ge [sflag:s0], $0x3000  }
0x15: {  	[sflag:s0] =	ssyncset.done $0x0  }
0x16: {  	s3 =	simm.s32 $0x4;
	[sflag:s0] =	ssyncadd.s32 $0xFFFFD000  }
0x17: {  	_ =	swait.ge [sflag:s3], $0x3000  }
0x18: {  	s4 =	rddreg [dreg:$0xa]  }
0x19: {  	s31 =	rddreg [dreg:$0x9];
	s4 =	sadd.s32 $0x1, s4  }
0x1a: {  	p0 =	sne.s32 s4, s31  }
.Ltmp1:
0x1b: {  	_ = 	snop;
	(pc) =	sbr.rel @!p0 .LBB2_9-.Ltmp1, $3  }
0x1c: {  	_ =	sdelay $0x1  }
0x1d: {  	[sflag:s3] =	ssyncset.done $0x0  }
0x1e: {  	[sflag:s3] =	ssyncadd.s32 $0xFFFFD000  }
.LBB2_1:
0x1f: {  	[dreg:$0xa] =	wrdreg s4  }
0x20: {  	s0 =	rddreg [dreg:$0x6];
	s3 =	simm.s32 $0x5  }
0x21: {  	[tilespmem:s6], [sflag:$0x5] =	stream.linear.gather [hbm4b:s0+s6], $0x800, $0x38;
	[tilespmem:$0x13780] =	vst v63  }
0x22: {  	_ =	swait.ge [sflag:s3], $0x800  }
0x23: {  	[sflag:s3] =	ssyncset.done $0x0  }
0x24: {  	s14 =	simm.s32 $0x800;
	s9 =	rddreg [dreg:$0x7];
	[sflag:s3] =	ssyncadd.s32 $0xFFFFF800  }
0x25: {  	[tilespmem:s14], [sflag:$0x5] =	stream.linear.gather [hbm4b:s9+s6], $0x800, $0x38;
	[tilespmem:$0x13780] =	vst v63  }
0x26: {  	_ =	swait.ge [sflag:s3], $0x800  }
0x27: {  	[sflag:s3] =	ssyncset.done $0x0  }
0x28: {  	[sflag:s3] =	ssyncadd.s32 $0xFFFFF800  }
0x29: {  	v3 =	vld [tilespmem:$0x0];
	_ =	sdelay $0x4  }
0x2a: {  	v4 =	vshrl.u32 v3, $0x3  }
0x2b: {  	v4 =	vmul.u32 $0x30, v4  }
0x2c: {  	v3 =	vand.u32 $0x7, v3  }
0x2d: {  	v3 =	vor.u32 v3, v4  }
0x2e: {  	v4 =	vperm.xlane v3, v0;
	_ =	sdelay $0x1  }
0x2f: {  	v4 =	vadd.s32 v1, v4;
	_ =	sdelay $0x3  }
0x30: {  	s15 =	simm.s32 $0x1780;
	v3 =	vperm.xlane v3, v2  }
0x31: {  	[tilespmem:s15], [sflag:$0x1] =	stream.indirect_vreg.gather [hbm4b:s1+s6], $0x80, v4, vm0, $0xb8;
	[tilespmem:$0x13780] =	vst v63  }
0x32: {  	s16 =	simm.s32 $0x1F80;
	v3 =	vadd.s32 v1, v3  }
0x33: {  	[tilespmem:s16], [sflag:$0x1] =	stream.indirect_vreg.gather [hbm4b:s10+s6], $0x80, v4, vm0, $0xb8;
	[tilespmem:$0x13780] =	vst v63  }
0x34: {  	s26 =	simm.s32 $0x2780  }
0x35: {  	[tilespmem:s26], [sflag:$0x1] =	stream.indirect_vreg.gather [hbm4b:s11+s6], $0x80, v4, vm0, $0xb8;
	[tilespmem:$0x13780] =	vst v63  }
0x36: {  	s31 =	simm.s32 $0x2F80  }
0x37: {  	[tilespmem:s31], [sflag:$0x1] =	stream.indirect_vreg.gather [hbm4b:s1+s6], $0x80, v3, vm0, $0xb8;
	[tilespmem:$0x13780] =	vst v63  }
0x38: {  	s4 =	simm.s32 $0x3780  }
0x39: {  	[tilespmem:s4], [sflag:$0x1] =	stream.indirect_vreg.gather [hbm4b:s10+s6], $0x80, v3, vm0, $0xb8;
	[tilespmem:$0x13780] =	vst v63  }
0x3a: {  	s8 =	simm.s32 $0x3F80  }
0x3b: {  	[tilespmem:s8], [sflag:$0x1] =	stream.indirect_vreg.gather [hbm4b:s11+s6], $0x80, v3, vm0, $0xb8;
	[tilespmem:$0x13780] =	vst v63  }
0x3c: {  	v3 =	vld [tilespmem:$0x800];
	_ =	sdelay $0x4  }
0x3d: {  	v61 =	vshrl.u32 v3, $0x3  }
0x3e: {  	v4 =	vmul.u32 $0x30, v61  }
0x3f: {  	v3 =	vand.u32 $0x7, v3  }
0x40: {  	v3 =	vor.u32 v3, v4  }
0x41: {  	v4 =	vperm.xlane v3, v0;
	_ =	sdelay $0x1  }
0x42: {  	v4 =	vadd.s32 v1, v4;
	_ =	sdelay $0x3  }
0x43: {  	s9 =	simm.s32 $0x4780;
	v3 =	vperm.xlane v3, v2  }
0x44: {  	[tilespmem:s9], [sflag:$0x1] =	stream.indirect_vreg.gather [hbm4b:s2+s6], $0x80, v4, vm0, $0xb8;
	[tilespmem:$0x13780] =	vst v63  }
0x45: {  	s14 =	simm.s32 $0x4F80;
	v3 =	vadd.s32 v1, v3  }
0x46: {  	[tilespmem:s14], [sflag:$0x1] =	stream.indirect_vreg.gather [hbm4b:s12+s6], $0x80, v4, vm0, $0xb8;
	[tilespmem:$0x13780] =	vst v63  }
0x47: {  	s15 =	simm.s32 $0x5780  }
0x48: {  	[tilespmem:s15], [sflag:$0x1] =	stream.indirect_vreg.gather [hbm4b:s13+s6], $0x80, v4, vm0, $0xb8;
	[tilespmem:$0x13780] =	vst v63  }
0x49: {  	s16 =	simm.s32 $0x5F80  }
0x4a: {  	[tilespmem:s16], [sflag:$0x1] =	stream.indirect_vreg.gather [hbm4b:s2+s6], $0x80, v3, vm0, $0xb8;
	[tilespmem:$0x13780] =	vst v63  }
0x4b: {  	s26 =	simm.s32 $0x6780  }
0x4c: {  	[tilespmem:s26], [sflag:$0x1] =	stream.indirect_vreg.gather [hbm4b:s12+s6], $0x80, v3, vm0, $0xb8;
	[tilespmem:$0x13780] =	vst v63  }
0x4d: {  	s31 =	simm.s32 $0x6F80  }
0x4e: {  	[tilespmem:s31], [sflag:$0x1] =	stream.indirect_vreg.gather [hbm4b:s13+s6], $0x80, v3, vm0, $0xb8;
	[tilespmem:$0x13780] =	vst v63  }
0x4f: {  	v3 =	vld [tilespmem:$0x80];
	_ =	sdelay $0x4  }
0x50: {  	v62 =	vshrl.u32 v3, $0x3  }
0x51: {  	v4 =	vmul.u32 $0x30, v62  }
0x52: {  	v3 =	vand.u32 $0x7, v3  }
0x53: {  	v3 =	vor.u32 v3, v4  }
0x54: {  	v4 =	vperm.xlane v3, v0;
	_ =	sdelay $0x1  }
0x55: {  	v4 =	vadd.s32 v1, v4;
	_ =	sdelay $0x3  }
0x56: {  	s4 =	simm.s32 $0xA780;
	v3 =	vperm.xlane v3, v2  }
0x57: {  	[tilespmem:s4], [sflag:$0x2] =	stream.indirect_vreg.gather [hbm4b:s1+s6], $0x80, v4, vm0, $0xb8;
	[tilespmem:$0x13780] =	vst v63  }
0x58: {  	s8 =	simm.s32 $0xAF80;
	v3 =	vadd.s32 v1, v3  }
0x59: {  	[tilespmem:s8], [sflag:$0x2] =	stream.indirect_vreg.gather [hbm4b:s10+s6], $0x80, v4, vm0, $0xb8;
	[tilespmem:$0x13780] =	vst v63  }
0x5a: {  	s9 =	simm.s32 $0xB780  }
0x5b: {  	[tilespmem:s9], [sflag:$0x2] =	stream.indirect_vreg.gather [hbm4b:s11+s6], $0x80, v4, vm0, $0xb8;
	[tilespmem:$0x13780] =	vst v63  }
0x5c: {  	s14 =	simm.s32 $0xBF80  }
0x5d: {  	[tilespmem:s14], [sflag:$0x2] =	stream.indirect_vreg.gather [hbm4b:s1+s6], $0x80, v3, vm0, $0xb8;
	[tilespmem:$0x13780] =	vst v63  }
0x5e: {  	_ = 	snop  }
0x5f: {  	[tilespmem:s17], [sflag:$0x2] =	stream.indirect_vreg.gather [hbm4b:s10+s6], $0x80, v3, vm0, $0xb8;
	[tilespmem:$0x13780] =	vst v63  }
0x60: {  	_ = 	snop  }
0x61: {  	[tilespmem:s18], [sflag:$0x2] =	stream.indirect_vreg.gather [hbm4b:s11+s6], $0x80, v3, vm0, $0xb8;
	[tilespmem:$0x13780] =	vst v63  }
0x62: {  	v3 =	vld [tilespmem:$0x880];
	_ =	sdelay $0x4  }
0x63: {  	v63 =	vshrl.u32 v3, $0x3  }
0x64: {  	v4 =	vmul.u32 $0x30, v63  }
0x65: {  	v3 =	vand.u32 $0x7, v3  }
0x66: {  	v3 =	vor.u32 v3, v4  }
0x67: {  	v4 =	vperm.xlane v3, v0;
	_ =	sdelay $0x1  }
0x68: {  	v4 =	vadd.s32 v1, v4;
	_ =	sdelay $0x3  }
0x69: {  	v3 =	vperm.xlane v3, v2  }
0x6a: {  	[tilespmem:s19], [sflag:$0x2] =	stream.indirect_vreg.gather [hbm4b:s2+s6], $0x80, v4, vm0, $0xb8;
	[tilespmem:$0x13780] =	vst v63  }
0x6b: {  	v3 =	vadd.s32 v1, v3  }
0x6c: {  	[tilespmem:s20], [sflag:$0x2] =	stream.indirect_vreg.gather [hbm4b:s12+s6], $0x80, v4, vm0, $0xb8;
	[tilespmem:$0x13780] =	vst v63  }
0x6d: {  	_ = 	snop  }
0x6e: {  	[tilespmem:s21], [sflag:$0x2] =	stream.indirect_vreg.gather [hbm4b:s13+s6], $0x80, v4, vm0, $0xb8;
	[tilespmem:$0x13780] =	vst v63  }
0x6f: {  	_ = 	snop  }
0x70: {  	[tilespmem:s22], [sflag:$0x2] =	stream.indirect_vreg.gather [hbm4b:s2+s6], $0x80, v3, vm0, $0xb8;
	[tilespmem:$0x13780] =	vst v63  }
0x71: {  	_ = 	snop  }
0x72: {  	[tilespmem:s23], [sflag:$0x2] =	stream.indirect_vreg.gather [hbm4b:s12+s6], $0x80, v3, vm0, $0xb8;
	[tilespmem:$0x13780] =	vst v63  }
0x73: {  	_ = 	snop  }
0x74: {  	[tilespmem:s24], [sflag:$0x2] =	stream.indirect_vreg.gather [hbm4b:s13+s6], $0x80, v3, vm0, $0xb8;
	[tilespmem:$0x13780] =	vst v63  }
0x75: {  	s15 =	rddreg [dreg:$0x8];
	s16 =	simm.s32 $0x1000  }
0x76: {  	[tilespmem:s16], [sflag:$0x5] =	stream.linear.gather [hbm4b:s15+s6], $0x100, $0x38;
	[tilespmem:$0x13780] =	vst v63  }
0x77: {  	_ =	swait.ge [sflag:s3], $0x100  }
0x78: {  	[sflag:s3] =	ssyncset.done $0x0  }
0x79: {  	[sflag:s3] =	ssyncadd.s32 $0xFFFFFF00  }
0x7a: {  	s31 =	simm.s32 $0x1180;
	s26 =	rddreg [dreg:$0x3]  }
0x7b: {  	[tilespmem:s31], [sflag:$0x5] =	stream.linear.gather [hbm4b:s26+s6], $0x600, $0x38;
	[tilespmem:$0x13780] =	vst v63  }
0x7c: {  	_ =	swait.ge [sflag:s3], $0x600  }
0x7d: {  	[sflag:s3] =	ssyncset.done $0x0  }
0x7e: {  	s14 =	simm.s32 $0x0;
	[sflag:s3] =	ssyncadd.s32 $0xFFFFFA00  }
.LBB2_2:
0x7f: {  	_ =	swait.ge [sflag:s28], $0x3000  }
0x80: {  	[sflag:s28] =	ssyncset.done $0x0  }
0x81: {  	[sflag:s28] =	ssyncadd.s32 $0xFFFFD000  }
0x82: {  	_ =	swait.ge [sflag:s28], $0x3000  }
0x83: {  	p0 =	seq.s32 s14, $0x0;
	[sflag:s28] =	ssyncset.done $0x0  }
0x84: {  	s8 =	simm.s32 @!p0 $0x3;
	[sflag:s28] =	ssyncadd.s32 $0xFFFFD000  }
0x85: {  	_ =	swait.ge @!p0 [sflag:s8], $0x3000  }
0x86: {  	s16 =	simm.s32 $0x0;
	s26 =	sshll.u32 s14, $0x5;
	[sflag:s8] =	ssyncset.done @!p0 $0x0  }
0x87: {  	s9 =	sand.u32 $0x7FFFFC00, s16;
	s15 =	sand.u32 $0x70, s16;
	[sflag:s8] =	ssyncadd.s32 @!p0 $0xFFFFD000  }
0x88: {  	s8 =	sor.u32 s15, s9;
	v3 =	vld [tilespmem:s26+$0x1000]  }
0x89: {  	v20 =	vld [tilespmem:s8+$0x4900]  }
0x8a: {  	v21 =	vld [tilespmem:s8+$0x4A00]  }
0x8b: {  	v22 =	vld [tilespmem:s8+$0x1880]  }
0x8c: {  	v23 =	vld [tilespmem:s8+$0x1900]  }
0x8d: {  	v24 =	vld [tilespmem:s8+$0x1A00]  }
0x8e: {  	v25 =	vld [tilespmem:s8+$0x4880]  }
0x8f: {  	v26 =	vld [tilespmem:s8+$0x4800]  }
0x90: {  	s9 =	sshrl.u32 s9, $0x2;
	v27 =	vld [tilespmem:s8+$0x1780];
	v3 =	vcvt.s32.f32 v3  }
0x91: {  	s9 =	sor.u32 s15, s9;
	v28 =	vld [tilespmem:s8+$0x1A80]  }
0x92: {  	v4 =	vld [tilespmem:s9+$0x1180];
	v5 =	vbroadcast v3, $0x0  }
0x93: {  	v29 =	vld [tilespmem:s9+$0x1200];
	v6 =	vbroadcast v3, $0x1;
	v7 =	vbroadcast v3, $0x2  }
0x94: {  	v31 =	vld [tilespmem:s8+$0x1800];
	v8 =	vbroadcast v3, $0x3;
	v9 =	vbroadcast v3, $0x4  }
0x95: {  	v32 =	vld [tilespmem:s8+$0x4780];
	v24 =	vadd.f32 v21, v24;
	v10 =	vbroadcast v3, $0x5;
	v11 =	vbroadcast v3, $0x6  }
0x96: {  	v33 =	vld [tilespmem:s8+$0x4A80];
	v25 =	vadd.f32 v25, v22;
	v12 =	vbroadcast v3, $0x7;
	v13 =	vbroadcast v3, $0x8  }
0x97: {  	v30 =	vld [tilespmem:s8+$0x4980];
	v20 =	vadd.f32 v20, v23;
	v14 =	vbroadcast v3, $0x9;
	v15 =	vbroadcast v3, $0xA  }
0x98: {  	v21 =	vsub.f32 v29, v4;
	v29 =	vld [tilespmem:s8+$0x1980];
	v16 =	vbroadcast v3, $0xB;
	v17 =	vbroadcast v3, $0xC  }
0x99: {  	v23 =	vadd.f32 v26, v31;
	v18 =	vbroadcast v3, $0xD;
	v19 =	vbroadcast v3, $0xE  }
0x9a: {  	v31 =	vadd.f32 v32, v27;
	v3 =	vbroadcast v3, $0xF;
	v27 =	vmul.f32 v21, v6  }
0x9b: {  	v33 =	vadd.f32 v33, v28;
	v26 =	vmul.f32 v21, v10;
	v35 =	vmul.f32 v21, v7  }
0x9c: {  	v22 =	vmul.f32 v21, v12;
	v61 =	vmul.f32 v21, v8;
	v36 =	vadd.f32 v27, v4  }
0x9d: {  	v34 =	vmul.f32 v21, v5;
	v29 =	vadd.f32 v30, v29;
	v28 =	vadd.f32 v35, v4  }
0x9e: {  	v27 =	vmul.f32 v21, v11;
	v22 =	vadd.f32 v22, v4;
	v30 =	vadd.f32 v61, v4  }
0x9f: {  	v62 =	vmul.f32 v21, v13;
	v26 =	vadd.f32 v26, v4;
	v34 =	vadd.f32 v34, v4  }
0xa0: {  	v37 =	vmul.f32 v21, v9;
	v25 =	vadd.f32 v25, v28;
	v27 =	vadd.f32 v27, v4  }
0xa1: {  	v63 =	vmul.f32 v21, v15;
	v20 =	vadd.f32 v20, v30;
	v28 =	vadd.f32 v24, v26  }
0xa2: {  	v26 =	vmul.f32 v21, v16;
	v24 =	vadd.f32 v37, v4;
	v23 =	vadd.f32 v23, v36;
	[tilespmem:s8+$0x7880] =	vst v25  }
0xa3: {  	v31 =	vadd.f32 v34, v31;
	v33 =	vadd.f32 v33, v27;
	v27 =	vmul.f32 v21, v18;
	[tilespmem:s8+$0x7900] =	vst v20  }
0xa4: {  	v25 =	vmul.f32 v21, v14;
	v30 =	vadd.f32 v29, v24;
	v24 =	vadd.f32 v62, v4;
	[tilespmem:s8+$0x7800] =	vst v23  }
0xa5: {  	s31 =	simm.s32 $0x80;
	s15 =	sshll.u32 s14, $0x8;
	s9 =	sor.u32 s16, s16;
	v20 =	vmul.f32 v21, v19;
	v23 =	vadd.f32 v63, v4;
	v29 =	vmul.f32 v21, v17;
	[tilespmem:s8+$0x7A80] =	vst v33  }
.LBB2_3:
0xa6: {  	p1 =	sne.s32 s31, $0x1780  }
0xa7: {  	[tilespmem:s8+$0x7980] =	vst v30;
	v26 =	vadd.f32 v26, v4;
	v27 =	vadd.f32 v27, v4;
	v21 =	vmul.f32 v21, v3;
	s16 =	sadd.s32 $0x10, s16;
	s0 =	smov.u32 s31;
	s31 =	sadd.s32 $0x80, s31  }
0xa8: {  	v25 =	vadd.f32 v25, v4;
	s3 =	sor.u32 s0, s16;
	[tilespmem:s8+$0x7780] =	vst v31;
	v29 =	vadd.f32 v29, v4  }
0xa9: {  	s4 =	sor.u32 $0x380, s9;
	[tilespmem:s8+$0x7A00] =	vst v28;
	v21 =	vadd.f32 v21, v4;
	s9 =	smov.u32 s3  }
0xaa: {  	v28 =	vld [tilespmem:s4+$0x1780]  }
0xab: {  	v30 =	vld [tilespmem:s4+$0x4780];
	_ =	sdelay $0x4  }
0xac: {  	v28 =	vadd.f32 v30, v28;
	_ =	sdelay $0x1  }
0xad: {  	v22 =	vadd.f32 v28, v22;
	_ =	sdelay $0x1  }
0xae: {  	[tilespmem:s4+$0x7780] =	vst v22  }
0xaf: {  	v22 =	vld [tilespmem:s8+$0x2F80]  }
0xb0: {  	v28 =	vld [tilespmem:s8+$0x5F80]  }
0xb1: {  	v30 =	vld [tilespmem:s8+$0x3000]  }
0xb2: {  	v31 =	vld [tilespmem:s8+$0x3080]  }
0xb3: {  	v32 =	vld [tilespmem:s8+$0x6080]  }
0xb4: {  	v33 =	vld [tilespmem:s8+$0x3100]  }
0xb5: {  	v22 =	vadd.f32 v28, v22;
	v28 =	vld [tilespmem:s8+$0x6100]  }
0xb6: {  	v34 =	vld [tilespmem:s8+$0x3180]  }
0xb7: {  	v22 =	vadd.f32 v22, v24;
	v24 =	vld [tilespmem:s8+$0x3200]  }
0xb8: {  	s0 =	sand.u32 $0x7FFFFC00, s0;
	v31 =	vadd.f32 v32, v31;
	v32 =	vld [tilespmem:s8+$0x6200]  }
0xb9: {  	s3 =	sand.u32 $0x70, s16;
	s4 =	sshrl.u32 s0, $0x2;
	[tilespmem:s8+$0x8F80] =	vst v22;
	v22 =	vld [tilespmem:s8+$0x6000]  }
0xba: {  	s4 =	sor.u32 s3, s4;
	v23 =	vadd.f32 v31, v23;
	v28 =	vadd.f32 v28, v33;
	v31 =	vld [tilespmem:s8+$0x3280]  }
0xbb: {  	v33 =	vld [tilespmem:s8+$0x6280]  }
0xbc: {  	[tilespmem:s8+$0x9080] =	vst v23;
	v23 =	vadd.f32 v28, v26;
	v26 =	vld [tilespmem:s8+$0x6180]  }
0xbd: {  	v24 =	vadd.f32 v32, v24;
	v28 =	vld [tilespmem:s8+$0x3300]  }
0xbe: {  	s0 =	sor.u32 s3, s0;
	v22 =	vadd.f32 v22, v30;
	[tilespmem:s8+$0x9100] =	vst v23;
	v23 =	vld [tilespmem:s8+$0x6300]  }
0xbf: {  	v4 =	vadd.f32 v20, v4;
	v30 =	vld [tilespmem:s0+$0x4900];
	v24 =	vadd.f32 v24, v27  }
0xc0: {  	v20 =	vld [tilespmem:s0+$0x4A00];
	v22 =	vadd.f32 v22, v25;
	v25 =	vadd.f32 v33, v31  }
0xc1: {  	v27 =	vld [tilespmem:s0+$0x1880];
	v26 =	vadd.f32 v26, v34;
	[tilespmem:s8+$0x9200] =	vst v24  }
0xc2: {  	v24 =	vld [tilespmem:s0+$0x1900];
	[tilespmem:s8+$0x9000] =	vst v22;
	v4 =	vadd.f32 v25, v4  }
0xc3: {  	v22 =	vld [tilespmem:s0+$0x1A00];
	v25 =	vadd.f32 v26, v29;
	v23 =	vadd.f32 v23, v28  }
0xc4: {  	v26 =	vld [tilespmem:s0+$0x4880];
	[tilespmem:s8+$0x9280] =	vst v4  }
0xc5: {  	v28 =	vld [tilespmem:s0+$0x4800];
	[tilespmem:s8+$0x9180] =	vst v25;
	v4 =	vadd.f32 v23, v21  }
0xc6: {  	v23 =	vld [tilespmem:s0+$0x1780]  }
0xc7: {  	v25 =	vld [tilespmem:s0+$0x1A80];
	[tilespmem:s8+$0x9300] =	vst v4;
	s8 =	smov.u32 s0  }
0xc8: {  	v4 =	vld [tilespmem:s4+$0x1180]  }
0xc9: {  	v21 =	vld [tilespmem:s4+$0x1200]  }
0xca: {  	v20 =	vadd.f32 v20, v22;
	v29 =	vld [tilespmem:s8+$0x4980]  }
0xcb: {  	v26 =	vadd.f32 v26, v27;
	v22 =	vld [tilespmem:s8+$0x1800]  }
0xcc: {  	v24 =	vadd.f32 v30, v24;
	v27 =	vld [tilespmem:s8+$0x4780]  }
0xcd: {  	v30 =	vld [tilespmem:s8+$0x4A80]  }
0xce: {  	v21 =	vsub.f32 v21, v4;
	v31 =	vld [tilespmem:s8+$0x1980];
	_ =	sdelay $0x1  }
0xcf: {  	v32 =	vadd.f32 v28, v22;
	v28 =	vmul.f32 v21, v10;
	v22 =	vmul.f32 v21, v12  }
0xd0: {  	v33 =	vmul.f32 v21, v8;
	v23 =	vadd.f32 v27, v23;
	v27 =	vmul.f32 v21, v6  }
0xd1: {  	v34 =	vmul.f32 v21, v5;
	v35 =	vmul.f32 v21, v7;
	v25 =	vadd.f32 v30, v25  }
0xd2: {  	v30 =	vadd.f32 v27, v4;
	v29 =	vadd.f32 v29, v31;
	v27 =	vmul.f32 v21, v11  }
0xd3: {  	v22 =	vadd.f32 v22, v4;
	v31 =	vadd.f32 v35, v4;
	v35 =	vmul.f32 v21, v13  }
0xd4: {  	v36 =	vmul.f32 v21, v15;
	v33 =	vadd.f32 v33, v4;
	v28 =	vadd.f32 v28, v4  }
0xd5: {  	v37 =	vmul.f32 v21, v9;
	v31 =	vadd.f32 v26, v31;
	v27 =	vadd.f32 v27, v4  }
.Ltmp2:
0xd6: {  	v24 =	vadd.f32 v24, v33;
	v28 =	vadd.f32 v20, v28;
	v26 =	vmul.f32 v21, v16;
	(pc) =	sbr.rel @p1 .LBB2_3-.Ltmp2, $4  }
0xd7: {  	v20 =	vadd.f32 v37, v4;
	[tilespmem:s8+$0x7880] =	vst v31;
	v31 =	vadd.f32 v25, v27;
	v27 =	vmul.f32 v21, v18  }
0xd8: {  	v33 =	vadd.f32 v34, v4;
	v32 =	vadd.f32 v32, v30;
	v25 =	vmul.f32 v21, v14;
	[tilespmem:s8+$0x7900] =	vst v24  }
0xd9: {  	v30 =	vadd.f32 v29, v20;
	v20 =	vmul.f32 v21, v19;
	v24 =	vadd.f32 v35, v4;
	[tilespmem:s8+$0x7A80] =	vst v31  }
0xda: {  	v29 =	vmul.f32 v21, v17;
	v31 =	vadd.f32 v33, v23;
	v23 =	vadd.f32 v36, v4;
	[tilespmem:s8+$0x7800] =	vst v32  }
0xdb: {  	[tilespmem:s8+$0x7980] =	vst v30  }
0xdc: {  	[tilespmem:s8+$0x7A00] =	vst v28  }
0xdd: {  	s0 =	sor.u32 $0x380, s9;
	[tilespmem:s8+$0x7780] =	vst v31  }
0xde: {  	v5 =	vld [tilespmem:s0+$0x1780]  }
0xdf: {  	v6 =	vld [tilespmem:s0+$0x4780];
	_ =	sdelay $0x4  }
0xe0: {  	v5 =	vadd.f32 v6, v5;
	_ =	sdelay $0x1  }
0xe1: {  	v5 =	vadd.f32 v5, v22;
	_ =	sdelay $0x1  }
0xe2: {  	[tilespmem:s0+$0x7780] =	vst v5  }
0xe3: {  	v5 =	vld [tilespmem:s8+$0x2F80]  }
0xe4: {  	v6 =	vld [tilespmem:s8+$0x5F80]  }
0xe5: {  	v8 =	vld [tilespmem:s8+$0x3080]  }
0xe6: {  	v9 =	vld [tilespmem:s8+$0x6080]  }
0xe7: {  	v10 =	vld [tilespmem:s8+$0x3100]  }
0xe8: {  	v12 =	vld [tilespmem:s8+$0x3200]  }
0xe9: {  	v13 =	vld [tilespmem:s8+$0x6200]  }
0xea: {  	v5 =	vadd.f32 v6, v5;
	v6 =	vld [tilespmem:s8+$0x6100]  }
0xeb: {  	v7 =	vld [tilespmem:s8+$0x3000]  }
0xec: {  	v11 =	vld [tilespmem:s8+$0x3180]  }
0xed: {  	v8 =	vadd.f32 v9, v8;
	v9 =	vld [tilespmem:s8+$0x3280];
	v5 =	vadd.f32 v5, v24  }
0xee: {  	v14 =	vadd.f32 v26, v4;
	v12 =	vadd.f32 v13, v12;
	v13 =	vld [tilespmem:s8+$0x6300]  }
0xef: {  	v8 =	vadd.f32 v8, v23;
	[tilespmem:s8+$0x8F80] =	vst v5;
	v5 =	vld [tilespmem:s8+$0x6000];
	v6 =	vadd.f32 v6, v10  }
0xf0: {  	v10 =	vld [tilespmem:s8+$0x6280]  }
0xf1: {  	v3 =	vmul.f32 v21, v3;
	[tilespmem:s8+$0x9080] =	vst v8;
	v8 =	vld [tilespmem:s8+$0x6180];
	v6 =	vadd.f32 v6, v14  }
0xf2: {  	v15 =	vadd.f32 v27, v4;
	v16 =	vadd.f32 v29, v4;
	v14 =	vld [tilespmem:s8+$0x3300]  }
0xf3: {  	v3 =	vadd.f32 v3, v4;
	[tilespmem:s8+$0x9100] =	vst v6;
	v6 =	vadd.f32 v25, v4  }
0xf4: {  	v5 =	vadd.f32 v5, v7;
	v7 =	vadd.f32 v12, v15  }
0xf5: {  	v4 =	vadd.f32 v20, v4;
	v9 =	vadd.f32 v10, v9  }
0xf6: {  	v5 =	vadd.f32 v5, v6;
	v6 =	vadd.f32 v8, v11  }
0xf7: {  	s3 =	sor.u32 s7, s26;
	[tilespmem:s8+$0x9200] =	vst v7;
	v4 =	vadd.f32 v9, v4;
	v7 =	vadd.f32 v13, v14  }
0xf8: {  	s0 =	sshrl.u32 s3, $0x3;
	[tilespmem:s8+$0x9000] =	vst v5;
	v5 =	vadd.f32 v6, v16  }
0xf9: {  	s0 =	smul.u32 $0x300, s0;
	[tilespmem:s8+$0x9280] =	vst v4;
	v3 =	vadd.f32 v7, v3  }
0xfa: {  	[tilespmem:s8+$0x9180] =	vst v5  }
0xfb: {  	p1 =	seq.s32 s14, $0x7;
	s0 =	sadd.s32 s5, s0;
	[tilespmem:s8+$0x9300] =	vst v3  }
0xfc: {  	[hbm4b:s0+s6] =	stream.linear.scatter [tilespmem:s29], [sflag:$0x3], $0x3000, $0x38;
	[tilespmem:$0x13780] =	vst v63  }
0xfd: {  	v3 =	vld @!p1 [tilespmem:s15+$0x100];
	_ =	sdelay $0x4  }
0xfe: {  	v4 =	vshrl.u32 @!p1 v3, $0x3  }
0xff: {  	v4 =	vmul.u32 @!p1 $0x30, v4  }
0x100: {  	v5 =	vlaneseq.u32 @!p1;
	v3 =	vand.u32 @!p1 $0x7, v3  }
0x101: {  	v6 =	vshrl.u32 @!p1 v5, $0x3;
	v3 =	vor.u32 @!p1 v3, v4;
	v4 =	vand.u32 @!p1 $0x7, v5  }
0x102: {  	v6 =	vmul.u32 @!p1 $0x8, v6;
	v7 =	vperm.xlane @!p1 v3, v4;
	_ =	sdelay $0x1  }
0x103: {  	v7 =	vadd.s32 @!p1 v6, v7;
	_ =	sdelay $0x2  }
0x104: {  	v5 =	vor.u32 @!p1 $0x8, v5  }
0x105: {  	vm1 =	vmmov @!p1 $0xffff;
	s3 =	simm.s32 @!p1 $0x1780;
	s0 =	simm.s32 @!p1 $0x0;
	v3 =	vperm.xlane @!p1 v3, v5  }
0x106: {  	[tilespmem:s3], [sflag:$0x1] =	stream.indirect_vreg.gather @!p1 [hbm4b:s1+s0], $0x80, v7, vm1, $0xb8;
	[tilespmem:$0x13780] =	vst v63  }
0x107: {  	v3 =	vadd.s32 @!p1 v6, v3;
	s3 =	simm.s32 @!p1 $0x1F80  }
0x108: {  	[tilespmem:s3], [sflag:$0x1] =	stream.indirect_vreg.gather @!p1 [hbm4b:s10+s0], $0x80, v7, vm1, $0xb8;
	[tilespmem:$0x13780] =	vst v63  }
0x109: {  	s3 =	simm.s32 @!p1 $0x2780  }
0x10a: {  	[tilespmem:s3], [sflag:$0x1] =	stream.indirect_vreg.gather @!p1 [hbm4b:s11+s0], $0x80, v7, vm1, $0xb8;
	[tilespmem:$0x13780] =	vst v63  }
0x10b: {  	s3 =	simm.s32 @!p1 $0x2F80  }
0x10c: {  	[tilespmem:s3], [sflag:$0x1] =	stream.indirect_vreg.gather @!p1 [hbm4b:s1+s0], $0x80, v3, vm1, $0xb8;
	[tilespmem:$0x13780] =	vst v63  }
0x10d: {  	s3 =	simm.s32 @!p1 $0x3780  }
0x10e: {  	[tilespmem:s3], [sflag:$0x1] =	stream.indirect_vreg.gather @!p1 [hbm4b:s10+s0], $0x80, v3, vm1, $0xb8;
	[tilespmem:$0x13780] =	vst v63  }
0x10f: {  	s3 =	simm.s32 @!p1 $0x3F80  }
0x110: {  	[tilespmem:s3], [sflag:$0x1] =	stream.indirect_vreg.gather @!p1 [hbm4b:s11+s0], $0x80, v3, vm1, $0xb8;
	[tilespmem:$0x13780] =	vst v63  }
0x111: {  	v3 =	vld @!p1 [tilespmem:s15+$0x900];
	_ =	sdelay $0x4  }
0x112: {  	v7 =	vshrl.u32 @!p1 v3, $0x3  }
0x113: {  	v7 =	vmul.u32 @!p1 $0x30, v7  }
0x114: {  	v3 =	vand.u32 @!p1 $0x7, v3  }
0x115: {  	v3 =	vor.u32 @!p1 v3, v7  }
0x116: {  	v4 =	vperm.xlane @!p1 v3, v4;
	_ =	sdelay $0x1  }
0x117: {  	v4 =	vadd.s32 @!p1 v6, v4;
	_ =	sdelay $0x3  }
0x118: {  	s3 =	simm.s32 @!p1 $0x4780;
	v3 =	vperm.xlane @!p1 v3, v5  }
0x119: {  	[tilespmem:s3], [sflag:$0x1] =	stream.indirect_vreg.gather @!p1 [hbm4b:s2+s0], $0x80, v4, vm1, $0xb8;
	[tilespmem:$0x13780] =	vst v63  }
0x11a: {  	v3 =	vadd.s32 @!p1 v6, v3;
	s3 =	simm.s32 @!p1 $0x4F80  }
0x11b: {  	[tilespmem:s3], [sflag:$0x1] =	stream.indirect_vreg.gather @!p1 [hbm4b:s12+s0], $0x80, v4, vm1, $0xb8;
	[tilespmem:$0x13780] =	vst v63  }
0x11c: {  	s3 =	simm.s32 @!p1 $0x5780  }
0x11d: {  	[tilespmem:s3], [sflag:$0x1] =	stream.indirect_vreg.gather @!p1 [hbm4b:s13+s0], $0x80, v4, vm1, $0xb8;
	[tilespmem:$0x13780] =	vst v63  }
0x11e: {  	s3 =	simm.s32 @!p1 $0x5F80  }
0x11f: {  	[tilespmem:s3], [sflag:$0x1] =	stream.indirect_vreg.gather @!p1 [hbm4b:s2+s0], $0x80, v3, vm1, $0xb8;
	[tilespmem:$0x13780] =	vst v63  }
0x120: {  	s3 =	simm.s32 @!p1 $0x6780  }
0x121: {  	[tilespmem:s3], [sflag:$0x1] =	stream.indirect_vreg.gather @!p1 [hbm4b:s12+s0], $0x80, v3, vm1, $0xb8;
	[tilespmem:$0x13780] =	vst v63  }
0x122: {  	s3 =	simm.s32 @!p1 $0x6F80  }
0x123: {  	[tilespmem:s3], [sflag:$0x1] =	stream.indirect_vreg.gather @!p1 [hbm4b:s13+s0], $0x80, v3, vm1, $0xb8;
	[tilespmem:$0x13780] =	vst v63  }
0x124: {  	_ =	swait.ge [sflag:s30], $0x3000  }
0x125: {  	[sflag:s30] =	ssyncset.done $0x0  }
0x126: {  	[sflag:s30] =	ssyncadd.s32 $0xFFFFD000  }
0x127: {  	_ =	swait.ge [sflag:s30], $0x3000  }
0x128: {  	[sflag:s30] =	ssyncset.done $0x0  }
0x129: {  	s0 =	simm.s32 @!p0 $0x4;
	[sflag:s30] =	ssyncadd.s32 $0xFFFFD000  }
0x12a: {  	_ =	swait.ge @!p0 [sflag:s0], $0x3000  }
0x12b: {  	s16 =	simm.s32 $0x0;
	[sflag:s0] =	ssyncset.done @!p0 $0x0  }
0x12c: {  	s4 =	sand.u32 $0x7FFFFC00, s16;
	s9 =	sand.u32 $0x70, s16;
	[sflag:s0] =	ssyncadd.s32 @!p0 $0xFFFFD000  }
0x12d: {  	s8 =	sor.u32 s9, s4;
	v3 =	vld [tilespmem:s26+$0x1010]  }
0x12e: {  	v20 =	vld [tilespmem:s8+$0xD900]  }
0x12f: {  	v21 =	vld [tilespmem:s8+$0xDA00]  }
0x130: {  	v22 =	vld [tilespmem:s8+$0xA880]  }
0x131: {  	v23 =	vld [tilespmem:s8+$0xA900]  }
0x132: {  	v24 =	vld [tilespmem:s8+$0xAA00]  }
0x133: {  	v25 =	vld [tilespmem:s8+$0xD880]  }
0x134: {  	v26 =	vld [tilespmem:s8+$0xD800]  }
0x135: {  	s0 =	sshrl.u32 s4, $0x2;
	v27 =	vld [tilespmem:s8+$0xA780];
	v3 =	vcvt.s32.f32 v3  }
0x136: {  	s0 =	sor.u32 s9, s0;
	v28 =	vld [tilespmem:s8+$0xAA80]  }
0x137: {  	v4 =	vld [tilespmem:s0+$0x1180];
	v5 =	vbroadcast v3, $0x0  }
0x138: {  	v29 =	vld [tilespmem:s0+$0x1200];
	v6 =	vbroadcast v3, $0x1;
	v7 =	vbroadcast v3, $0x2  }
0x139: {  	v31 =	vld [tilespmem:s8+$0xA800];
	v8 =	vbroadcast v3, $0x3;
	v9 =	vbroadcast v3, $0x4  }
0x13a: {  	v32 =	vld [tilespmem:s8+$0xD780];
	v24 =	vadd.f32 v21, v24;
	v10 =	vbroadcast v3, $0x5;
	v11 =	vbroadcast v3, $0x6  }
0x13b: {  	v33 =	vld [tilespmem:s8+$0xDA80];
	v25 =	vadd.f32 v25, v22;
	v12 =	vbroadcast v3, $0x7;
	v13 =	vbroadcast v3, $0x8  }
0x13c: {  	v30 =	vld [tilespmem:s8+$0xD980];
	v20 =	vadd.f32 v20, v23;
	v14 =	vbroadcast v3, $0x9;
	v15 =	vbroadcast v3, $0xA  }
0x13d: {  	v21 =	vsub.f32 v29, v4;
	v29 =	vld [tilespmem:s8+$0xA980];
	v16 =	vbroadcast v3, $0xB;
	v17 =	vbroadcast v3, $0xC  }
0x13e: {  	v23 =	vadd.f32 v26, v31;
	v18 =	vbroadcast v3, $0xD;
	v19 =	vbroadcast v3, $0xE  }
0x13f: {  	v31 =	vadd.f32 v32, v27;
	v3 =	vbroadcast v3, $0xF;
	v27 =	vmul.f32 v21, v6  }
0x140: {  	v33 =	vadd.f32 v33, v28;
	v26 =	vmul.f32 v21, v10;
	v35 =	vmul.f32 v21, v7  }
0x141: {  	v22 =	vmul.f32 v21, v12;
	v61 =	vmul.f32 v21, v8;
	v36 =	vadd.f32 v27, v4  }
0x142: {  	v34 =	vmul.f32 v21, v5;
	v29 =	vadd.f32 v30, v29;
	v28 =	vadd.f32 v35, v4  }
0x143: {  	v27 =	vmul.f32 v21, v11;
	v22 =	vadd.f32 v22, v4;
	v30 =	vadd.f32 v61, v4  }
0x144: {  	v62 =	vmul.f32 v21, v13;
	v26 =	vadd.f32 v26, v4;
	v34 =	vadd.f32 v34, v4  }
0x145: {  	v37 =	vmul.f32 v21, v9;
	v25 =	vadd.f32 v25, v28;
	v27 =	vadd.f32 v27, v4  }
0x146: {  	v63 =	vmul.f32 v21, v15;
	v20 =	vadd.f32 v20, v30;
	v28 =	vadd.f32 v24, v26  }
0x147: {  	v26 =	vmul.f32 v21, v16;
	v24 =	vadd.f32 v37, v4;
	v23 =	vadd.f32 v23, v36;
	[tilespmem:s8+$0x10880] =	vst v25  }
0x148: {  	v31 =	vadd.f32 v34, v31;
	v33 =	vadd.f32 v33, v27;
	v27 =	vmul.f32 v21, v18;
	[tilespmem:s8+$0x10900] =	vst v20  }
0x149: {  	v25 =	vmul.f32 v21, v14;
	v30 =	vadd.f32 v29, v24;
	v24 =	vadd.f32 v62, v4;
	[tilespmem:s8+$0x10800] =	vst v23  }
0x14a: {  	s31 =	simm.s32 $0x80;
	s26 =	sor.u32 $0x10, s26;
	s9 =	sor.u32 s16, s16;
	v20 =	vmul.f32 v21, v19;
	v23 =	vadd.f32 v63, v4;
	v29 =	vmul.f32 v21, v17;
	[tilespmem:s8+$0x10A80] =	vst v33  }
.LBB2_5:
0x14b: {  	p0 =	sne.s32 s31, $0x1780  }
0x14c: {  	[tilespmem:s8+$0x10980] =	vst v30;
	v26 =	vadd.f32 v26, v4;
	v27 =	vadd.f32 v27, v4;
	v21 =	vmul.f32 v21, v3;
	s16 =	sadd.s32 $0x10, s16;
	s0 =	smov.u32 s31;
	s31 =	sadd.s32 $0x80, s31  }
0x14d: {  	v25 =	vadd.f32 v25, v4;
	s3 =	sor.u32 s0, s16;
	[tilespmem:s8+$0x10780] =	vst v31;
	v29 =	vadd.f32 v29, v4  }
0x14e: {  	s4 =	sor.u32 $0x380, s9;
	[tilespmem:s8+$0x10A00] =	vst v28;
	v21 =	vadd.f32 v21, v4;
	s9 =	smov.u32 s3  }
0x14f: {  	v28 =	vld [tilespmem:s4+$0xA780]  }
0x150: {  	v30 =	vld [tilespmem:s4+$0xD780];
	_ =	sdelay $0x4  }
0x151: {  	v28 =	vadd.f32 v30, v28;
	_ =	sdelay $0x1  }
0x152: {  	v22 =	vadd.f32 v28, v22;
	_ =	sdelay $0x1  }
0x153: {  	[tilespmem:s4+$0x10780] =	vst v22  }
0x154: {  	v22 =	vld [tilespmem:s8+$0xBF80]  }
0x155: {  	v28 =	vld [tilespmem:s8+$0xEF80]  }
0x156: {  	v30 =	vld [tilespmem:s8+$0xC000]  }
0x157: {  	v31 =	vld [tilespmem:s8+$0xC080]  }
0x158: {  	v32 =	vld [tilespmem:s8+$0xF080]  }
0x159: {  	v33 =	vld [tilespmem:s8+$0xC100]  }
0x15a: {  	v22 =	vadd.f32 v28, v22;
	v28 =	vld [tilespmem:s8+$0xF100]  }
0x15b: {  	v34 =	vld [tilespmem:s8+$0xC180]  }
0x15c: {  	v22 =	vadd.f32 v22, v24;
	v24 =	vld [tilespmem:s8+$0xC200]  }
0x15d: {  	s0 =	sand.u32 $0x7FFFFC00, s0;
	v31 =	vadd.f32 v32, v31;
	v32 =	vld [tilespmem:s8+$0xF200]  }
0x15e: {  	s3 =	sand.u32 $0x70, s16;
	s4 =	sshrl.u32 s0, $0x2;
	[tilespmem:s8+$0x11F80] =	vst v22;
	v22 =	vld [tilespmem:s8+$0xF000]  }
0x15f: {  	s4 =	sor.u32 s3, s4;
	v23 =	vadd.f32 v31, v23;
	v28 =	vadd.f32 v28, v33;
	v31 =	vld [tilespmem:s8+$0xC280]  }
0x160: {  	v33 =	vld [tilespmem:s8+$0xF280]  }
0x161: {  	[tilespmem:s8+$0x12080] =	vst v23;
	v23 =	vadd.f32 v28, v26;
	v26 =	vld [tilespmem:s8+$0xF180]  }
0x162: {  	v24 =	vadd.f32 v32, v24;
	v28 =	vld [tilespmem:s8+$0xC300]  }
0x163: {  	s0 =	sor.u32 s3, s0;
	v22 =	vadd.f32 v22, v30;
	[tilespmem:s8+$0x12100] =	vst v23;
	v23 =	vld [tilespmem:s8+$0xF300]  }
0x164: {  	v4 =	vadd.f32 v20, v4;
	v30 =	vld [tilespmem:s0+$0xD900];
	v24 =	vadd.f32 v24, v27  }
0x165: {  	v20 =	vld [tilespmem:s0+$0xDA00];
	v22 =	vadd.f32 v22, v25;
	v25 =	vadd.f32 v33, v31  }
0x166: {  	v27 =	vld [tilespmem:s0+$0xA880];
	v26 =	vadd.f32 v26, v34;
	[tilespmem:s8+$0x12200] =	vst v24  }
0x167: {  	v24 =	vld [tilespmem:s0+$0xA900];
	[tilespmem:s8+$0x12000] =	vst v22;
	v4 =	vadd.f32 v25, v4  }
0x168: {  	v22 =	vld [tilespmem:s0+$0xAA00];
	v25 =	vadd.f32 v26, v29;
	v23 =	vadd.f32 v23, v28  }
0x169: {  	v26 =	vld [tilespmem:s0+$0xD880];
	[tilespmem:s8+$0x12280] =	vst v4  }
0x16a: {  	v28 =	vld [tilespmem:s0+$0xD800];
	[tilespmem:s8+$0x12180] =	vst v25;
	v4 =	vadd.f32 v23, v21  }
0x16b: {  	v23 =	vld [tilespmem:s0+$0xA780]  }
0x16c: {  	v25 =	vld [tilespmem:s0+$0xAA80];
	[tilespmem:s8+$0x12300] =	vst v4;
	s8 =	smov.u32 s0  }
0x16d: {  	v4 =	vld [tilespmem:s4+$0x1180]  }
0x16e: {  	v21 =	vld [tilespmem:s4+$0x1200]  }
0x16f: {  	v20 =	vadd.f32 v20, v22;
	v29 =	vld [tilespmem:s8+$0xD980]  }
0x170: {  	v26 =	vadd.f32 v26, v27;
	v22 =	vld [tilespmem:s8+$0xA800]  }
0x171: {  	v24 =	vadd.f32 v30, v24;
	v27 =	vld [tilespmem:s8+$0xD780]  }
0x172: {  	v30 =	vld [tilespmem:s8+$0xDA80]  }
0x173: {  	v21 =	vsub.f32 v21, v4;
	v31 =	vld [tilespmem:s8+$0xA980];
	_ =	sdelay $0x1  }
0x174: {  	v32 =	vadd.f32 v28, v22;
	v28 =	vmul.f32 v21, v10;
	v22 =	vmul.f32 v21, v12  }
0x175: {  	v33 =	vmul.f32 v21, v8;
	v23 =	vadd.f32 v27, v23;
	v27 =	vmul.f32 v21, v6  }
0x176: {  	v34 =	vmul.f32 v21, v5;
	v35 =	vmul.f32 v21, v7;
	v25 =	vadd.f32 v30, v25  }
0x177: {  	v30 =	vadd.f32 v27, v4;
	v29 =	vadd.f32 v29, v31;
	v27 =	vmul.f32 v21, v11  }
0x178: {  	v22 =	vadd.f32 v22, v4;
	v31 =	vadd.f32 v35, v4;
	v35 =	vmul.f32 v21, v13  }
0x179: {  	v36 =	vmul.f32 v21, v15;
	v33 =	vadd.f32 v33, v4;
	v28 =	vadd.f32 v28, v4  }
0x17a: {  	v37 =	vmul.f32 v21, v9;
	v31 =	vadd.f32 v26, v31;
	v27 =	vadd.f32 v27, v4  }
.Ltmp3:
0x17b: {  	v24 =	vadd.f32 v24, v33;
	v28 =	vadd.f32 v20, v28;
	v26 =	vmul.f32 v21, v16;
	(pc) =	sbr.rel @p0 .LBB2_5-.Ltmp3, $4  }
0x17c: {  	v20 =	vadd.f32 v37, v4;
	[tilespmem:s8+$0x10880] =	vst v31;
	v31 =	vadd.f32 v25, v27;
	v27 =	vmul.f32 v21, v18  }
0x17d: {  	v33 =	vadd.f32 v34, v4;
	v32 =	vadd.f32 v32, v30;
	v25 =	vmul.f32 v21, v14;
	[tilespmem:s8+$0x10900] =	vst v24  }
0x17e: {  	v30 =	vadd.f32 v29, v20;
	v20 =	vmul.f32 v21, v19;
	v24 =	vadd.f32 v35, v4;
	[tilespmem:s8+$0x10A80] =	vst v31  }
0x17f: {  	v29 =	vmul.f32 v21, v17;
	v31 =	vadd.f32 v33, v23;
	v23 =	vadd.f32 v36, v4;
	[tilespmem:s8+$0x10800] =	vst v32  }
0x180: {  	[tilespmem:s8+$0x10980] =	vst v30  }
0x181: {  	[tilespmem:s8+$0x10A00] =	vst v28  }
0x182: {  	s0 =	sor.u32 $0x380, s9;
	[tilespmem:s8+$0x10780] =	vst v31  }
0x183: {  	v5 =	vld [tilespmem:s0+$0xA780]  }
0x184: {  	v6 =	vld [tilespmem:s0+$0xD780];
	_ =	sdelay $0x4  }
0x185: {  	v5 =	vadd.f32 v6, v5;
	_ =	sdelay $0x1  }
0x186: {  	v5 =	vadd.f32 v5, v22;
	_ =	sdelay $0x1  }
0x187: {  	[tilespmem:s0+$0x10780] =	vst v5  }
0x188: {  	v5 =	vld [tilespmem:s8+$0xBF80]  }
0x189: {  	v50 =	vld [tilespmem:s8+$0xEF80]  }
0x18a: {  	v7 =	vld [tilespmem:s8+$0xC000]  }
0x18b: {  	v8 =	vld [tilespmem:s8+$0xC080]  }
0x18c: {  	v9 =	vld [tilespmem:s8+$0xF080]  }
0x18d: {  	v10 =	vld [tilespmem:s8+$0xC100]  }
0x18e: {  	v51 =	vld [tilespmem:s8+$0xF100]  }
0x18f: {  	v11 =	vld [tilespmem:s8+$0xC180]  }
0x190: {  	v12 =	vld [tilespmem:s8+$0xC200]  }
0x191: {  	v13 =	vld [tilespmem:s8+$0xF200]  }
0x192: {  	v53 =	vld [tilespmem:s8+$0xC280]  }
0x193: {  	v14 =	vadd.f32 v26, v4;
	v15 =	vadd.f32 v27, v4;
	v54 =	vld [tilespmem:s8+$0xF280]  }
0x194: {  	v3 =	vmul.f32 v21, v3;
	v57 =	vadd.f32 v25, v4;
	v60 =	vadd.f32 v20, v4;
	v55 =	vld [tilespmem:s8+$0xF180]  }
0x195: {  	v16 =	vadd.f32 v29, v4;
	v56 =	vld [tilespmem:s8+$0xC300];
	v5 =	vadd.f32 v50, v5  }
0x196: {  	v3 =	vadd.f32 v3, v4;
	v58 =	vld [tilespmem:s8+$0xF300];
	v8 =	vadd.f32 v9, v8  }
0x197: {  	v52 =	vld [tilespmem:s8+$0xF000];
	v6 =	vadd.f32 v51, v10;
	v5 =	vadd.f32 v5, v24  }
0x198: {  	v12 =	vadd.f32 v13, v12;
	v8 =	vadd.f32 v8, v23  }
0x199: {  	v9 =	vadd.f32 v54, v53;
	v6 =	vadd.f32 v6, v14;
	[tilespmem:s8+$0x11F80] =	vst v5  }
0x19a: {  	v61 =	vadd.f32 v55, v11;
	v59 =	vadd.f32 v12, v15;
	[tilespmem:s8+$0x12080] =	vst v8  }
0x19b: {  	v62 =	vadd.f32 v58, v56;
	v4 =	vadd.f32 v9, v60;
	[tilespmem:s8+$0x12100] =	vst v6  }
0x19c: {  	s31 =	sor.u32 s7, s26;
	v63 =	vadd.f32 v61, v16;
	v5 =	vadd.f32 v52, v7;
	[tilespmem:s8+$0x12200] =	vst v59  }
.Ltmp4:
0x19d: {  	s0 =	sshrl.u32 s31, $0x3;
	v3 =	vadd.f32 v62, v3;
	[tilespmem:s8+$0x12280] =	vst v4;
	(pc) =	sbr.rel @p1 .LBB2_8-.Ltmp4, $4  }
0x19e: {  	s0 =	smul.u32 $0x300, s0;
	[tilespmem:s8+$0x12180] =	vst v63;
	v5 =	vadd.f32 v5, v57  }
0x19f: {  	[tilespmem:s8+$0x12300] =	vst v3  }
0x1a0: {  	s0 =	sadd.s32 s5, s0;
	[tilespmem:s8+$0x12000] =	vst v5  }
0x1a1: {  	[hbm4b:s0+s6] =	stream.linear.scatter [tilespmem:s25], [sflag:$0x4], $0x3000, $0x38;
	[tilespmem:$0x13780] =	vst v63  }
0x1a2: {  	v3 =	vld [tilespmem:s15+$0x180];
	_ =	sdelay $0x4  }
0x1a3: {  	v4 =	vshrl.u32 v3, $0x3  }
0x1a4: {  	v4 =	vmul.u32 $0x30, v4  }
0x1a5: {  	v3 =	vand.u32 $0x7, v3  }
0x1a6: {  	v3 =	vor.u32 v3, v4  }
0x1a7: {  	v4 =	vperm.xlane v3, v0;
	_ =	sdelay $0x1  }
0x1a8: {  	v4 =	vadd.s32 v1, v4;
	_ =	sdelay $0x3  }
0x1a9: {  	s0 =	simm.s32 $0xA780;
	v3 =	vperm.xlane v3, v2  }
0x1aa: {  	[tilespmem:s0], [sflag:$0x2] =	stream.indirect_vreg.gather [hbm4b:s1+s6], $0x80, v4, vm0, $0xb8;
	[tilespmem:$0x13780] =	vst v63  }
0x1ab: {  	s16 =	simm.s32 $0xAF80;
	v3 =	vadd.s32 v1, v3  }
0x1ac: {  	[tilespmem:s16], [sflag:$0x2] =	stream.indirect_vreg.gather [hbm4b:s10+s6], $0x80, v4, vm0, $0xb8;
	[tilespmem:$0x13780] =	vst v63  }
0x1ad: {  	s26 =	simm.s32 $0xB780  }
0x1ae: {  	[tilespmem:s26], [sflag:$0x2] =	stream.indirect_vreg.gather [hbm4b:s11+s6], $0x80, v4, vm0, $0xb8;
	[tilespmem:$0x13780] =	vst v63  }
0x1af: {  	s31 =	simm.s32 $0xBF80  }
0x1b0: {  	[tilespmem:s31], [sflag:$0x2] =	stream.indirect_vreg.gather [hbm4b:s1+s6], $0x80, v3, vm0, $0xb8;
	[tilespmem:$0x13780] =	vst v63  }
0x1b1: {  	_ = 	snop  }
0x1b2: {  	[tilespmem:s17], [sflag:$0x2] =	stream.indirect_vreg.gather [hbm4b:s10+s6], $0x80, v3, vm0, $0xb8;
	[tilespmem:$0x13780] =	vst v63  }
0x1b3: {  	_ = 	snop  }
0x1b4: {  	[tilespmem:s18], [sflag:$0x2] =	stream.indirect_vreg.gather [hbm4b:s11+s6], $0x80, v3, vm0, $0xb8;
	[tilespmem:$0x13780] =	vst v63  }
0x1b5: {  	v3 =	vld [tilespmem:s15+$0x980];
	_ =	sdelay $0x4  }
0x1b6: {  	v63 =	vshrl.u32 v3, $0x3  }
0x1b7: {  	v4 =	vmul.u32 $0x30, v63  }
0x1b8: {  	v3 =	vand.u32 $0x7, v3  }
0x1b9: {  	v3 =	vor.u32 v3, v4  }
0x1ba: {  	v4 =	vperm.xlane v3, v0;
	_ =	sdelay $0x1  }
0x1bb: {  	v4 =	vadd.s32 v1, v4;
	_ =	sdelay $0x3  }
0x1bc: {  	v3 =	vperm.xlane v3, v2  }
0x1bd: {  	[tilespmem:s19], [sflag:$0x2] =	stream.indirect_vreg.gather [hbm4b:s2+s6], $0x80, v4, vm0, $0xb8;
	[tilespmem:$0x13780] =	vst v63  }
0x1be: {  	v3 =	vadd.s32 v1, v3  }
0x1bf: {  	[tilespmem:s20], [sflag:$0x2] =	stream.indirect_vreg.gather [hbm4b:s12+s6], $0x80, v4, vm0, $0xb8;
	[tilespmem:$0x13780] =	vst v63  }
0x1c0: {  	_ = 	snop  }
0x1c1: {  	[tilespmem:s21], [sflag:$0x2] =	stream.indirect_vreg.gather [hbm4b:s13+s6], $0x80, v4, vm0, $0xb8;
	[tilespmem:$0x13780] =	vst v63  }
0x1c2: {  	_ = 	snop  }
0x1c3: {  	[tilespmem:s22], [sflag:$0x2] =	stream.indirect_vreg.gather [hbm4b:s2+s6], $0x80, v3, vm0, $0xb8;
	[tilespmem:$0x13780] =	vst v63  }
.Ltmp5:
0x1c4: {  	_ = 	snop;
	(pc) =	sbr.rel .LBB2_2-.Ltmp5, $4  }
0x1c5: {  	_ = 	snop  }
0x1c6: {  	[tilespmem:s23], [sflag:$0x2] =	stream.indirect_vreg.gather [hbm4b:s12+s6], $0x80, v3, vm0, $0xb8;
	[tilespmem:$0x13780] =	vst v63  }
0x1c7: {  	s14 =	sadd.s32 $0x1, s14  }
0x1c8: {  	[tilespmem:s24], [sflag:$0x2] =	stream.indirect_vreg.gather [hbm4b:s13+s6], $0x80, v3, vm0, $0xb8;
	[tilespmem:$0x13780] =	vst v63  }
.LBB2_9:
0x1c9: {  	_ =	sfence.sel $0x180000  }
0x1ca: {  	[bflag:$0x0] =	sbarrier.arrive $0xFFFF  }
0x1cb: {  	_ =	strace $0x90000047  }
0x1cc: {  	s0 =	stileid.u32;
	[bflag:$0x2] =	sbarrier.arrive $0xFFFF  }
0x1cd: {  	p0 =	sne.s32 s0, $0x0;
	s0 =	rddreg [dreg:$0x5]  }
0x1ce: {  	s0 =	sadd.s32 @!p0 $0x100000, s0  }
0x1cf: {  	[sflag:s0] =	ssyncadd.tile.s32 @!p0 $0x1;
	_ =	shalt  }
.Lfunc_end2:
_tile_overlayer_lowered:
.L_overlay_start_2:
0x1d0: {  	(tag) =	ssettag $0x2  }
0x1d1: {  	s0 =	rddreg [dreg:$0x0];
	s2 =	stileid.u32  }
0x1d2: {  	s1 =	rddreg [dreg:$0x1];
	p0 =	sne.s32 s2, $0x0  }
0x1d3: {  	s3 =	rddreg [dreg:$0x2];
	[bflag:$0x3] =	sbarrier.arrive $0xFFFF;
	s2 =	simm.s32 @!p0 $0x1C05  }
0x1d4: {  	[timem:s3], [sflag:s2] =	dma.local @!p0 [hbm:s0], s1  }
0x1d5: {  	s0 =	simm.s32 @!p0 $0x5  }
0x1d6: {  	_ =	swait.ge @!p0 [sflag:s0], s1  }
0x1d7: {  	s1 =	ssub.s32 @!p0 $0x0, s1;
	[sflag:s0] =	ssyncset.done @!p0 $0x0  }
0x1d8: {  	[sflag:s0] =	ssyncadd.s32 @!p0 s1  }
0x1d9: {  	[bflag:$0x3] =	sbarrier.arrive $0xFFFF  }
0x1da: {  	_ =	shalt  }

</sc_bundles>
